<compile_context>
chip_gen: v7x
topology: tpu7x:2x2x1
jax: 0.10.2.dev20260603
libtpu: 0.0.44.dev20260713+nightly
codegen_flags: <defaults>
</compile_context>

<pallas_src>
import functools

import jax
import jax.numpy as jnp
from jax import lax
from jax.experimental import pallas as pl
from jax.experimental.pallas import tpu as pltpu
from jax.experimental.pallas import tpu_sc as plsc

K_NEIGH = 5
N_CLASSES = 100
Q = 1024
D = 32
KB = 4096
NB = 25
KPAD = KB * NB
ROWS = KB // 128
QT = 128
PAD_VAL = 1.0e4
NW = 32
QPW = Q // NW


def _stage1_body(xt_ref, q2_ref, m1_ref, m2_ref, i1_ref, i2_ref):
    q2 = q2_ref[...]
    xt = xt_ref[...]
    qh = q2 * (-0.5)
    qsq = jnp.sum(qh * qh, axis=1, keepdims=True)
    ksq = jnp.sum(xt * xt, axis=0, keepdims=True)
    g2 = jnp.dot(q2, xt, preferred_element_type=jnp.float32)
    d2 = (qsq + ksq) + g2
    m1 = jnp.full((Q, 128), jnp.inf, jnp.float32)
    m2 = m1
    i1 = jnp.zeros((Q, 128), jnp.int32)
    i2 = i1
    for r in range(ROWS):
        d = d2[:, r * 128:(r + 1) * 128]
        rid = jnp.int32(r)
        c1 = d < m1
        c2 = d < m2
        m2 = jnp.where(c1, m1, jnp.where(c2, d, m2))
        i2 = jnp.where(c1, i1, jnp.where(c2, rid, i2))
        m1 = jnp.where(c1, d, m1)
        i1 = jnp.where(c1, rid, i1)
    m1_ref[...] = m1[None]
    m2_ref[...] = m2[None]
    i1_ref[...] = i1[None]
    i2_ref[...] = i2[None]


def _stage1(xt, q2):
    return pl.pallas_call(
        _stage1_body,
        grid=(NB,),
        in_specs=[
            pl.BlockSpec((D, KB), lambda b: (0, b)),
            pl.BlockSpec((Q, D), lambda b: (0, 0)),
        ],
        out_specs=[pl.BlockSpec((1, Q, 128), lambda b: (b, 0, 0))] * 4,
        out_shape=[
            jax.ShapeDtypeStruct((NB, Q, 128), jnp.float32),
            jax.ShapeDtypeStruct((NB, Q, 128), jnp.float32),
            jax.ShapeDtypeStruct((NB, Q, 128), jnp.int32),
            jax.ShapeDtypeStruct((NB, Q, 128), jnp.int32),
        ],
    )(xt, q2)


def _stage2_body(m1_ref, m2_ref, i1_ref, i2_ref, out_ref):
    v1 = m1_ref[...]
    v2 = m2_ref[...]
    big = jnp.int32(1 << 23)
    blk = lax.broadcasted_iota(jnp.int32, (NB, QT, 128), 0) * ROWS
    p1 = blk + i1_ref[...]
    p2 = blk + i2_ref[...]
    lane = lax.broadcasted_iota(jnp.int32, (QT, 128), 1)
    col = lax.broadcasted_iota(jnp.int32, (QT, 8), 1)
    acc = jnp.zeros((QT, 8), jnp.int32)
    for j in range(K_NEIGH):
        a = jnp.minimum(jnp.min(v1, axis=0), jnp.min(v2, axis=0))
        bv = jnp.min(a, axis=1, keepdims=True)
        bvb = bv[None]
        b1 = jnp.min(jnp.where(v1 == bvb, p1, big), axis=0)
        b2 = jnp.min(jnp.where(v2 == bvb, p2, big), axis=0)
        bp = jnp.minimum(b1, b2)
        bg = jnp.min(bp * 128 + lane, axis=1, keepdims=True)
        acc = jnp.where(col == j, bg, acc)
        lane_w = bg % 128
        p_w = bg // 128
        bp_sel = jnp.where(lane == lane_w, p_w, big)
        bpb = bp_sel[None]
        v1 = jnp.where((v1 == bvb) & (p1 == bpb), jnp.inf, v1)
        v2 = jnp.where((v2 == bvb) & (p2 == bpb), jnp.inf, v2)
    out_ref[...] = acc


def _stage2(m1, m2, i1, i2):
    spec = pl.BlockSpec((NB, QT, 128), lambda t: (0, t, 0))
    return pl.pallas_call(
        _stage2_body,
        grid=(Q // QT,),
        in_specs=[spec, spec, spec, spec],
        out_specs=pl.BlockSpec((QT, 8), lambda t: (t, 0)),
        out_shape=jax.ShapeDtypeStruct((Q, 8), jnp.int32),
    )(m1, m2, i1, i2)


def _stage3_body(idx_hbm, y_hbm, out_hbm, y_v, idx_v, out_v):
    c = lax.axis_index("c")
    s = lax.axis_index("s")
    w = s * 2 + c
    qb = w * QPW
    pltpu.sync_copy(y_hbm, y_v)
    pltpu.sync_copy(idx_hbm, idx_v)
    for g in range(QPW // 16):
        labels = []
        for j in range(K_NEIGH):
            idx = idx_v[j, pl.ds(qb + g * 16, 16)]
            labels.append(plsc.load_gather(y_v, [idx]))
        counts = []
        for j in range(K_NEIGH):
            cj = jnp.zeros((16,), jnp.int32)
            for k in range(K_NEIGH):
                cj = cj + jnp.where(labels[j] == labels[k], 1, 0)
            counts.append(cj)
        pred = labels[0]
        best = counts[0] * (N_CLASSES * 10) - labels[0]
        for j in range(1, K_NEIGH):
            sc = counts[j] * (N_CLASSES * 10) - labels[j]
            take = sc > best
            pred = jnp.where(take, labels[j], pred)
            best = jnp.where(take, sc, best)
        out_v[pl.ds(g * 16, 16)] = pred
    pltpu.sync_copy(out_v, out_hbm.at[pl.ds(qb, QPW)])


def _stage3(idx_t, y_train):
    mesh = plsc.VectorSubcoreMesh(core_axis_name="c", subcore_axis_name="s")
    n_train = y_train.shape[0]
    fn = functools.partial(
        pl.kernel,
        mesh=mesh,
        out_type=jax.ShapeDtypeStruct((Q,), jnp.int32),
        scratch_types=[
            pltpu.VMEM((n_train,), jnp.int32),
            pltpu.VMEM((8, Q), jnp.int32),
            pltpu.VMEM((QPW,), jnp.int32),
        ],
        compiler_params=pltpu.CompilerParams(needs_layout_passes=False),
    )(_stage3_body)
    return fn(idx_t, y_train)


def kernel(X_train, X_test, y_train):
    n_train = X_train.shape[0]
    pad = KPAD - n_train
    xp = jnp.concatenate(
        [X_train, jnp.full((pad, D), PAD_VAL, jnp.float32)], axis=0)
    xt = xp.T
    q2 = X_test * (-2.0)
    m1, m2, i1, i2 = _stage1(xt, q2)
    top = _stage2(m1, m2, i1, i2)
    idx_t = top.T
    return _stage3(idx_t, y_train)

# --- scband reference (transcript-rebuilt; emitter-appended) ---
"""Pipeline reference for scband-knnclassifier-7215545057607 (READ-ONLY COPY).

The authoritative reference and input builder live on the scoring server;
editing this copy changes nothing except your own understanding.
"""

import jax, jax.numpy as jnp
import numpy as np

N_NEIGHBORS = 5
NUM_CLASSES = 100


def setup_inputs(seed: int = 0) -> dict:
    key = jax.random.key(seed)
    k1, k2, k3 = jax.random.split(key, 3)
    X_train = jax.random.normal(k1, (100000, 32), dtype=jnp.float32)
    X_test = jax.random.normal(k2, (1024, 32), dtype=jnp.float32)
    y_train = jax.random.randint(k3, (100000,), 0, NUM_CLASSES, dtype=jnp.int32)
    return {"X_train": X_train, "X_test": X_test, "y_train": y_train}


def _mode_along_last(labels):
    # labels: [Q, k] int. torch.mode returns the most frequent value;
    # ties broken by the smallest value.
    counts = (labels[:, :, None] == labels[:, None, :]).sum(axis=-1)  # [Q, k]
    # score: maximize count, then minimize label value on ties
    score = counts * (NUM_CLASSES * 10) - labels
    j = jnp.argmax(score, axis=1)
    preds = jnp.take_along_axis(labels, j[:, None], axis=1)[:, 0]
    return preds


def reference(X_train, X_test, y_train):
    # torch.cdist(X_test, X_train, p=2) via the Gram-matrix identity
    q_sq = jnp.sum(X_test * X_test, axis=-1, keepdims=True)        # [Q, 1]
    k_sq = jnp.sum(X_train * X_train, axis=-1)[None, :]            # [1, K]
    d2 = q_sq + k_sq - 2.0 * (X_test @ X_train.T)                  # [Q, K]
    dist = jnp.sqrt(jnp.maximum(d2, 0.0))
    # topk smallest distances
    _, indices = jax.lax.top_k(-dist, N_NEIGHBORS)                 # [Q, k]
    nearest_labels = jnp.take(y_train, indices, axis=0)            # [Q, k]
    predictions = _mode_along_last(nearest_labels)
    return predictions

if __name__ == "__main__":
    import jax
    _d = setup_inputs()
    print(jax.jit(kernel)(*tuple(_d.values())))

</pallas_src>

<mosaic_0001>
#map = affine_map<(d0, d1) -> (0, 0)>
#map1 = affine_map<(d0, d1) -> (0)>
module attributes {stable_mosaic.version = 14 : i64} {
  func.func @_stage3_body(%arg0: i32, %arg1: i32, %arg2: memref<8x1024xi32, #tpu.memory_space<hbm>>, %arg3: memref<100000xi32, #tpu.memory_space<hbm>>, %arg4: memref<1024xi32, #tpu.memory_space<hbm>>, %arg5: memref<100000xi32, #tpu.memory_space<vmem>>, %arg6: memref<8x1024xi32, #tpu.memory_space<vmem>>, %arg7: memref<32xi32, #tpu.memory_space<vmem>>) attributes {dimension_semantics = [#tpu.dimension_semantics<core_parallel>, #tpu.dimension_semantics<subcore_parallel>], iteration_bounds = array<i64: 2, 16>, scalar_prefetch = 0 : i64, scratch_operands = 3 : i64, tpu.core_type = #tpu.core_type<sc_vector_subcore>, window_params = [{transform_indices = #map}, {transform_indices = #map1}, {transform_indices = #map1}]} {
    %mul3A = arith.constant 2 : i32
    %mul3A_0 = arith.muli %arg1, %mul3A : i32
    %add3A = arith.addi %mul3A_0, %arg0 : i32
    %mul3A_1 = arith.constant 32 : i32
    %mul3A_2 = arith.muli %add3A, %mul3A_1 : i32
    "tpu.region"() ({
      %run_scoped3A = tpu.sem_alloc : memref<!tpu.dma_semaphore, #tpu.memory_space<semaphore_mem>>
      tpu.enqueue_dma source(%arg3 : memref<100000xi32, #tpu.memory_space<hbm>>) target(%arg5 : memref<100000xi32, #tpu.memory_space<vmem>>) target_semaphore(%run_scoped3A : memref<!tpu.dma_semaphore, #tpu.memory_space<semaphore_mem>>)
      tpu.wait_dma2 semaphore(%run_scoped3A : memref<!tpu.dma_semaphore, #tpu.memory_space<semaphore_mem>>) src(%arg3 : memref<100000xi32, #tpu.memory_space<hbm>>) dst(%arg5 : memref<100000xi32, #tpu.memory_space<vmem>>)
      tpu.yield
    }) : () -> ()
    "tpu.region"() ({
      %run_scoped3A = tpu.sem_alloc : memref<!tpu.dma_semaphore, #tpu.memory_space<semaphore_mem>>
      tpu.enqueue_dma source(%arg2 : memref<8x1024xi32, #tpu.memory_space<hbm>>) target(%arg6 : memref<8x1024xi32, #tpu.memory_space<vmem>>) target_semaphore(%run_scoped3A : memref<!tpu.dma_semaphore, #tpu.memory_space<semaphore_mem>>)
      tpu.wait_dma2 semaphore(%run_scoped3A : memref<!tpu.dma_semaphore, #tpu.memory_space<semaphore_mem>>) src(%arg2 : memref<8x1024xi32, #tpu.memory_space<hbm>>) dst(%arg6 : memref<8x1024xi32, #tpu.memory_space<vmem>>)
      tpu.yield
    }) : () -> ()
    %add3A_3 = arith.constant 0 : i32
    %add3A_4 = arith.addi %mul3A_2, %add3A_3 : i32
    %get3A = arith.constant 0 : i32
    %get3A_5 = arith.index_cast %get3A : i32 to index
    %get3A_6 = arith.index_cast %add3A_4 : i32 to index
    %get3A_7 = tpu.vector_load %arg6[%get3A_5, %get3A_6] {strides = array<i32>} : memref<8x1024xi32, #tpu.memory_space<vmem>>, vector<16xi32>,
    %gather3A = tpu.vector_load_idx %arg5[%get3A_7] : memref<100000xi32, #tpu.memory_space<vmem>>[vector<16xi32>], vector<16xi32>,
    %add3A_8 = arith.constant 0 : i32
    %add3A_9 = arith.addi %mul3A_2, %add3A_8 : i32
    %get3A_10 = arith.constant 1 : i32
    %get3A_11 = arith.index_cast %get3A_10 : i32 to index
    %get3A_12 = arith.index_cast %add3A_9 : i32 to index
    %get3A_13 = tpu.vector_load %arg6[%get3A_11, %get3A_12] {strides = array<i32>} : memref<8x1024xi32, #tpu.memory_space<vmem>>, vector<16xi32>,
    %gather3A_14 = tpu.vector_load_idx %arg5[%get3A_13] : memref<100000xi32, #tpu.memory_space<vmem>>[vector<16xi32>], vector<16xi32>,
    %add3A_15 = arith.constant 0 : i32
    %add3A_16 = arith.addi %mul3A_2, %add3A_15 : i32
    %get3A_17 = arith.constant 2 : i32
    %get3A_18 = arith.index_cast %get3A_17 : i32 to index
    %get3A_19 = arith.index_cast %add3A_16 : i32 to index
    %get3A_20 = tpu.vector_load %arg6[%get3A_18, %get3A_19] {strides = array<i32>} : memref<8x1024xi32, #tpu.memory_space<vmem>>, vector<16xi32>,
    %gather3A_21 = tpu.vector_load_idx %arg5[%get3A_20] : memref<100000xi32, #tpu.memory_space<vmem>>[vector<16xi32>], vector<16xi32>,
    %add3A_22 = arith.constant 0 : i32
    %add3A_23 = arith.addi %mul3A_2, %add3A_22 : i32
    %get3A_24 = arith.constant 3 : i32
    %get3A_25 = arith.index_cast %get3A_24 : i32 to index
    %get3A_26 = arith.index_cast %add3A_23 : i32 to index
    %get3A_27 = tpu.vector_load %arg6[%get3A_25, %get3A_26] {strides = array<i32>} : memref<8x1024xi32, #tpu.memory_space<vmem>>, vector<16xi32>,
    %gather3A_28 = tpu.vector_load_idx %arg5[%get3A_27] : memref<100000xi32, #tpu.memory_space<vmem>>[vector<16xi32>], vector<16xi32>,
    %add3A_29 = arith.constant 0 : i32
    %add3A_30 = arith.addi %mul3A_2, %add3A_29 : i32
    %get3A_31 = arith.constant 4 : i32
    %get3A_32 = arith.index_cast %get3A_31 : i32 to index
    %get3A_33 = arith.index_cast %add3A_30 : i32 to index
    %get3A_34 = tpu.vector_load %arg6[%get3A_32, %get3A_33] {strides = array<i32>} : memref<8x1024xi32, #tpu.memory_space<vmem>>, vector<16xi32>,
    %gather3A_35 = tpu.vector_load_idx %arg5[%get3A_34] : memref<100000xi32, #tpu.memory_space<vmem>>[vector<16xi32>], vector<16xi32>,
    %broadcast_in_dim3A = arith.constant 0 : i32
    %broadcast_in_dim3A_36 = vector.broadcast %broadcast_in_dim3A : i32 to vector<16xi32>
    %eq3A = arith.cmpi eq, %gather3A, %gather3A : vector<16xi32>
    %jit3A = arith.constant 1 : i32
    %jit3A_37 = arith.constant 0 : i32
    %broadcast_in_dim3A_38 = vector.broadcast %jit3A : i32 to vector<16xi32>
    %broadcast_in_dim3A_39 = vector.broadcast %jit3A_37 : i32 to vector<16xi32>
    %select_n3A = arith.select %eq3A, %broadcast_in_dim3A_38, %broadcast_in_dim3A_39 : vector<16xi1>, vector<16xi32>
    %add3A_40 = arith.addi %broadcast_in_dim3A_36, %select_n3A : vector<16xi32>
    %eq3A_41 = arith.cmpi eq, %gather3A, %gather3A_14 : vector<16xi32>
    %jit3A_42 = arith.constant 1 : i32
    %jit3A_43 = arith.constant 0 : i32
    %broadcast_in_dim3A_44 = vector.broadcast %jit3A_42 : i32 to vector<16xi32>
    %broadcast_in_dim3A_45 = vector.broadcast %jit3A_43 : i32 to vector<16xi32>
    %select_n3A_46 = arith.select %eq3A_41, %broadcast_in_dim3A_44, %broadcast_in_dim3A_45 : vector<16xi1>, vector<16xi32>
    %add3A_47 = arith.addi %add3A_40, %select_n3A_46 : vector<16xi32>
    %eq3A_48 = arith.cmpi eq, %gather3A, %gather3A_21 : vector<16xi32>
    %jit3A_49 = arith.constant 1 : i32
    %jit3A_50 = arith.constant 0 : i32
    %broadcast_in_dim3A_51 = vector.broadcast %jit3A_49 : i32 to vector<16xi32>
    %broadcast_in_dim3A_52 = vector.broadcast %jit3A_50 : i32 to vector<16xi32>
    %select_n3A_53 = arith.select %eq3A_48, %broadcast_in_dim3A_51, %broadcast_in_dim3A_52 : vector<16xi1>, vector<16xi32>
    %add3A_54 = arith.addi %add3A_47, %select_n3A_53 : vector<16xi32>
    %eq3A_55 = arith.cmpi eq, %gather3A, %gather3A_28 : vector<16xi32>
    %jit3A_56 = arith.constant 1 : i32
    %jit3A_57 = arith.constant 0 : i32
    %broadcast_in_dim3A_58 = vector.broadcast %jit3A_56 : i32 to vector<16xi32>
    %broadcast_in_dim3A_59 = vector.broadcast %jit3A_57 : i32 to vector<16xi32>
    %select_n3A_60 = arith.select %eq3A_55, %broadcast_in_dim3A_58, %broadcast_in_dim3A_59 : vector<16xi1>, vector<16xi32>
    %add3A_61 = arith.addi %add3A_54, %select_n3A_60 : vector<16xi32>
    %eq3A_62 = arith.cmpi eq, %gather3A, %gather3A_35 : vector<16xi32>
    %jit3A_63 = arith.constant 1 : i32
    %jit3A_64 = arith.constant 0 : i32
    %broadcast_in_dim3A_65 = vector.broadcast %jit3A_63 : i32 to vector<16xi32>
    %broadcast_in_dim3A_66 = vector.broadcast %jit3A_64 : i32 to vector<16xi32>
    %select_n3A_67 = arith.select %eq3A_62, %broadcast_in_dim3A_65, %broadcast_in_dim3A_66 : vector<16xi1>, vector<16xi32>
    %add3A_68 = arith.addi %add3A_61, %select_n3A_67 : vector<16xi32>
    %broadcast_in_dim3A_69 = arith.constant 0 : i32
    %broadcast_in_dim3A_70 = vector.broadcast %broadcast_in_dim3A_69 : i32 to vector<16xi32>
    %eq3A_71 = arith.cmpi eq, %gather3A_14, %gather3A : vector<16xi32>
    %jit3A_72 = arith.constant 1 : i32
    %jit3A_73 = arith.constant 0 : i32
    %broadcast_in_dim3A_74 = vector.broadcast %jit3A_72 : i32 to vector<16xi32>
    %broadcast_in_dim3A_75 = vector.broadcast %jit3A_73 : i32 to vector<16xi32>
    %select_n3A_76 = arith.select %eq3A_71, %broadcast_in_dim3A_74, %broadcast_in_dim3A_75 : vector<16xi1>, vector<16xi32>
    %add3A_77 = arith.addi %broadcast_in_dim3A_70, %select_n3A_76 : vector<16xi32>
    %eq3A_78 = arith.cmpi eq, %gather3A_14, %gather3A_14 : vector<16xi32>
    %jit3A_79 = arith.constant 1 : i32
    %jit3A_80 = arith.constant 0 : i32
    %broadcast_in_dim3A_81 = vector.broadcast %jit3A_79 : i32 to vector<16xi32>
    %broadcast_in_dim3A_82 = vector.broadcast %jit3A_80 : i32 to vector<16xi32>
    %select_n3A_83 = arith.select %eq3A_78, %broadcast_in_dim3A_81, %broadcast_in_dim3A_82 : vector<16xi1>, vector<16xi32>
    %add3A_84 = arith.addi %add3A_77, %select_n3A_83 : vector<16xi32>
    %eq3A_85 = arith.cmpi eq, %gather3A_14, %gather3A_21 : vector<16xi32>
    %jit3A_86 = arith.constant 1 : i32
    %jit3A_87 = arith.constant 0 : i32
    %broadcast_in_dim3A_88 = vector.broadcast %jit3A_86 : i32 to vector<16xi32>
    %broadcast_in_dim3A_89 = vector.broadcast %jit3A_87 : i32 to vector<16xi32>
    %select_n3A_90 = arith.select %eq3A_85, %broadcast_in_dim3A_88, %broadcast_in_dim3A_89 : vector<16xi1>, vector<16xi32>
    %add3A_91 = arith.addi %add3A_84, %select_n3A_90 : vector<16xi32>
    %eq3A_92 = arith.cmpi eq, %gather3A_14, %gather3A_28 : vector<16xi32>
    %jit3A_93 = arith.constant 1 : i32
    %jit3A_94 = arith.constant 0 : i32
    %broadcast_in_dim3A_95 = vector.broadcast %jit3A_93 : i32 to vector<16xi32>
    %broadcast_in_dim3A_96 = vector.broadcast %jit3A_94 : i32 to vector<16xi32>
    %select_n3A_97 = arith.select %eq3A_92, %broadcast_in_dim3A_95, %broadcast_in_dim3A_96 : vector<16xi1>, vector<16xi32>
    %add3A_98 = arith.addi %add3A_91, %select_n3A_97 : vector<16xi32>
    %eq3A_99 = arith.cmpi eq, %gather3A_14, %gather3A_35 : vector<16xi32>
    %jit3A_100 = arith.constant 1 : i32
    %jit3A_101 = arith.constant 0 : i32
    %broadcast_in_dim3A_102 = vector.broadcast %jit3A_100 : i32 to vector<16xi32>
    %broadcast_in_dim3A_103 = vector.broadcast %jit3A_101 : i32 to vector<16xi32>
    %select_n3A_104 = arith.select %eq3A_99, %broadcast_in_dim3A_102, %broadcast_in_dim3A_103 : vector<16xi1>, vector<16xi32>
    %add3A_105 = arith.addi %add3A_98, %select_n3A_104 : vector<16xi32>
    %broadcast_in_dim3A_106 = arith.constant 0 : i32
    %broadcast_in_dim3A_107 = vector.broadcast %broadcast_in_dim3A_106 : i32 to vector<16xi32>
    %eq3A_108 = arith.cmpi eq, %gather3A_21, %gather3A : vector<16xi32>
    %jit3A_109 = arith.constant 1 : i32
    %jit3A_110 = arith.constant 0 : i32
    %broadcast_in_dim3A_111 = vector.broadcast %jit3A_109 : i32 to vector<16xi32>
    %broadcast_in_dim3A_112 = vector.broadcast %jit3A_110 : i32 to vector<16xi32>
    %select_n3A_113 = arith.select %eq3A_108, %broadcast_in_dim3A_111, %broadcast_in_dim3A_112 : vector<16xi1>, vector<16xi32>
    %add3A_114 = arith.addi %broadcast_in_dim3A_107, %select_n3A_113 : vector<16xi32>
    %eq3A_115 = arith.cmpi eq, %gather3A_21, %gather3A_14 : vector<16xi32>
    %jit3A_116 = arith.constant 1 : i32
    %jit3A_117 = arith.constant 0 : i32
    %broadcast_in_dim3A_118 = vector.broadcast %jit3A_116 : i32 to vector<16xi32>
    %broadcast_in_dim3A_119 = vector.broadcast %jit3A_117 : i32 to vector<16xi32>
    %select_n3A_120 = arith.select %eq3A_115, %broadcast_in_dim3A_118, %broadcast_in_dim3A_119 : vector<16xi1>, vector<16xi32>
    %add3A_121 = arith.addi %add3A_114, %select_n3A_120 : vector<16xi32>
    %eq3A_122 = arith.cmpi eq, %gather3A_21, %gather3A_21 : vector<16xi32>
    %jit3A_123 = arith.constant 1 : i32
    %jit3A_124 = arith.constant 0 : i32
    %broadcast_in_dim3A_125 = vector.broadcast %jit3A_123 : i32 to vector<16xi32>
    %broadcast_in_dim3A_126 = vector.broadcast %jit3A_124 : i32 to vector<16xi32>
    %select_n3A_127 = arith.select %eq3A_122, %broadcast_in_dim3A_125, %broadcast_in_dim3A_126 : vector<16xi1>, vector<16xi32>
    %add3A_128 = arith.addi %add3A_121, %select_n3A_127 : vector<16xi32>
    %eq3A_129 = arith.cmpi eq, %gather3A_21, %gather3A_28 : vector<16xi32>
    %jit3A_130 = arith.constant 1 : i32
    %jit3A_131 = arith.constant 0 : i32
    %broadcast_in_dim3A_132 = vector.broadcast %jit3A_130 : i32 to vector<16xi32>
    %broadcast_in_dim3A_133 = vector.broadcast %jit3A_131 : i32 to vector<16xi32>
    %select_n3A_134 = arith.select %eq3A_129, %broadcast_in_dim3A_132, %broadcast_in_dim3A_133 : vector<16xi1>, vector<16xi32>
    %add3A_135 = arith.addi %add3A_128, %select_n3A_134 : vector<16xi32>
    %eq3A_136 = arith.cmpi eq, %gather3A_21, %gather3A_35 : vector<16xi32>
    %jit3A_137 = arith.constant 1 : i32
    %jit3A_138 = arith.constant 0 : i32
    %broadcast_in_dim3A_139 = vector.broadcast %jit3A_137 : i32 to vector<16xi32>
    %broadcast_in_dim3A_140 = vector.broadcast %jit3A_138 : i32 to vector<16xi32>
    %select_n3A_141 = arith.select %eq3A_136, %broadcast_in_dim3A_139, %broadcast_in_dim3A_140 : vector<16xi1>, vector<16xi32>
    %add3A_142 = arith.addi %add3A_135, %select_n3A_141 : vector<16xi32>
    %broadcast_in_dim3A_143 = arith.constant 0 : i32
    %broadcast_in_dim3A_144 = vector.broadcast %broadcast_in_dim3A_143 : i32 to vector<16xi32>
    %eq3A_145 = arith.cmpi eq, %gather3A_28, %gather3A : vector<16xi32>
    %jit3A_146 = arith.constant 1 : i32
    %jit3A_147 = arith.constant 0 : i32
    %broadcast_in_dim3A_148 = vector.broadcast %jit3A_146 : i32 to vector<16xi32>
    %broadcast_in_dim3A_149 = vector.broadcast %jit3A_147 : i32 to vector<16xi32>
    %select_n3A_150 = arith.select %eq3A_145, %broadcast_in_dim3A_148, %broadcast_in_dim3A_149 : vector<16xi1>, vector<16xi32>
    %add3A_151 = arith.addi %broadcast_in_dim3A_144, %select_n3A_150 : vector<16xi32>
    %eq3A_152 = arith.cmpi eq, %gather3A_28, %gather3A_14 : vector<16xi32>
    %jit3A_153 = arith.constant 1 : i32
    %jit3A_154 = arith.constant 0 : i32
    %broadcast_in_dim3A_155 = vector.broadcast %jit3A_153 : i32 to vector<16xi32>
    %broadcast_in_dim3A_156 = vector.broadcast %jit3A_154 : i32 to vector<16xi32>
    %select_n3A_157 = arith.select %eq3A_152, %broadcast_in_dim3A_155, %broadcast_in_dim3A_156 : vector<16xi1>, vector<16xi32>
    %add3A_158 = arith.addi %add3A_151, %select_n3A_157 : vector<16xi32>
    %eq3A_159 = arith.cmpi eq, %gather3A_28, %gather3A_21 : vector<16xi32>
    %jit3A_160 = arith.constant 1 : i32
    %jit3A_161 = arith.constant 0 : i32
    %broadcast_in_dim3A_162 = vector.broadcast %jit3A_160 : i32 to vector<16xi32>
    %broadcast_in_dim3A_163 = vector.broadcast %jit3A_161 : i32 to vector<16xi32>
    %select_n3A_164 = arith.select %eq3A_159, %broadcast_in_dim3A_162, %broadcast_in_dim3A_163 : vector<16xi1>, vector<16xi32>
    %add3A_165 = arith.addi %add3A_158, %select_n3A_164 : vector<16xi32>
    %eq3A_166 = arith.cmpi eq, %gather3A_28, %gather3A_28 : vector<16xi32>
    %jit3A_167 = arith.constant 1 : i32
    %jit3A_168 = arith.constant 0 : i32
    %broadcast_in_dim3A_169 = vector.broadcast %jit3A_167 : i32 to vector<16xi32>
    %broadcast_in_dim3A_170 = vector.broadcast %jit3A_168 : i32 to vector<16xi32>
    %select_n3A_171 = arith.select %eq3A_166, %broadcast_in_dim3A_169, %broadcast_in_dim3A_170 : vector<16xi1>, vector<16xi32>
    %add3A_172 = arith.addi %add3A_165, %select_n3A_171 : vector<16xi32>
    %eq3A_173 = arith.cmpi eq, %gather3A_28, %gather3A_35 : vector<16xi32>
    %jit3A_174 = arith.constant 1 : i32
    %jit3A_175 = arith.constant 0 : i32
    %broadcast_in_dim3A_176 = vector.broadcast %jit3A_174 : i32 to vector<16xi32>
    %broadcast_in_dim3A_177 = vector.broadcast %jit3A_175 : i32 to vector<16xi32>
    %select_n3A_178 = arith.select %eq3A_173, %broadcast_in_dim3A_176, %broadcast_in_dim3A_177 : vector<16xi1>, vector<16xi32>
    %add3A_179 = arith.addi %add3A_172, %select_n3A_178 : vector<16xi32>
    %broadcast_in_dim3A_180 = arith.constant 0 : i32
    %broadcast_in_dim3A_181 = vector.broadcast %broadcast_in_dim3A_180 : i32 to vector<16xi32>
    %eq3A_182 = arith.cmpi eq, %gather3A_35, %gather3A : vector<16xi32>
    %jit3A_183 = arith.constant 1 : i32
    %jit3A_184 = arith.constant 0 : i32
    %broadcast_in_dim3A_185 = vector.broadcast %jit3A_183 : i32 to vector<16xi32>
    %broadcast_in_dim3A_186 = vector.broadcast %jit3A_184 : i32 to vector<16xi32>
    %select_n3A_187 = arith.select %eq3A_182, %broadcast_in_dim3A_185, %broadcast_in_dim3A_186 : vector<16xi1>, vector<16xi32>
    %add3A_188 = arith.addi %broadcast_in_dim3A_181, %select_n3A_187 : vector<16xi32>
    %eq3A_189 = arith.cmpi eq, %gather3A_35, %gather3A_14 : vector<16xi32>
    %jit3A_190 = arith.constant 1 : i32
    %jit3A_191 = arith.constant 0 : i32
    %broadcast_in_dim3A_192 = vector.broadcast %jit3A_190 : i32 to vector<16xi32>
    %broadcast_in_dim3A_193 = vector.broadcast %jit3A_191 : i32 to vector<16xi32>
    %select_n3A_194 = arith.select %eq3A_189, %broadcast_in_dim3A_192, %broadcast_in_dim3A_193 : vector<16xi1>, vector<16xi32>
    %add3A_195 = arith.addi %add3A_188, %select_n3A_194 : vector<16xi32>
    %eq3A_196 = arith.cmpi eq, %gather3A_35, %gather3A_21 : vector<16xi32>
    %jit3A_197 = arith.constant 1 : i32
    %jit3A_198 = arith.constant 0 : i32
    %broadcast_in_dim3A_199 = vector.broadcast %jit3A_197 : i32 to vector<16xi32>
    %broadcast_in_dim3A_200 = vector.broadcast %jit3A_198 : i32 to vector<16xi32>
    %select_n3A_201 = arith.select %eq3A_196, %broadcast_in_dim3A_199, %broadcast_in_dim3A_200 : vector<16xi1>, vector<16xi32>
    %add3A_202 = arith.addi %add3A_195, %select_n3A_201 : vector<16xi32>
    %eq3A_203 = arith.cmpi eq, %gather3A_35, %gather3A_28 : vector<16xi32>
    %jit3A_204 = arith.constant 1 : i32
    %jit3A_205 = arith.constant 0 : i32
    %broadcast_in_dim3A_206 = vector.broadcast %jit3A_204 : i32 to vector<16xi32>
    %broadcast_in_dim3A_207 = vector.broadcast %jit3A_205 : i32 to vector<16xi32>
    %select_n3A_208 = arith.select %eq3A_203, %broadcast_in_dim3A_206, %broadcast_in_dim3A_207 : vector<16xi1>, vector<16xi32>
    %add3A_209 = arith.addi %add3A_202, %select_n3A_208 : vector<16xi32>
    %eq3A_210 = arith.cmpi eq, %gather3A_35, %gather3A_35 : vector<16xi32>
    %jit3A_211 = arith.constant 1 : i32
    %jit3A_212 = arith.constant 0 : i32
    %broadcast_in_dim3A_213 = vector.broadcast %jit3A_211 : i32 to vector<16xi32>
    %broadcast_in_dim3A_214 = vector.broadcast %jit3A_212 : i32 to vector<16xi32>
    %select_n3A_215 = arith.select %eq3A_210, %broadcast_in_dim3A_213, %broadcast_in_dim3A_214 : vector<16xi1>, vector<16xi32>
    %add3A_216 = arith.addi %add3A_209, %select_n3A_215 : vector<16xi32>
    %mul3A_217 = arith.constant 1000 : i32
    %mul3A_218 = vector.broadcast %mul3A_217 : i32 to vector<16xi32>
    %mul3A_219 = arith.muli %add3A_68, %mul3A_218 : vector<16xi32>
    %sub3A = arith.subi %mul3A_219, %gather3A : vector<16xi32>
    %mul3A_220 = arith.constant 1000 : i32
    %mul3A_221 = vector.broadcast %mul3A_220 : i32 to vector<16xi32>
    %mul3A_222 = arith.muli %add3A_105, %mul3A_221 : vector<16xi32>
    %sub3A_223 = arith.subi %mul3A_222, %gather3A_14 : vector<16xi32>
    %gt3A = arith.cmpi sgt, %sub3A_223, %sub3A : vector<16xi32>
    %select_n3A_224 = arith.select %gt3A, %gather3A_14, %gather3A : vector<16xi1>, vector<16xi32>
    %select_n3A_225 = arith.select %gt3A, %sub3A_223, %sub3A : vector<16xi1>, vector<16xi32>
    %mul3A_226 = arith.constant 1000 : i32
    %mul3A_227 = vector.broadcast %mul3A_226 : i32 to vector<16xi32>
    %mul3A_228 = arith.muli %add3A_142, %mul3A_227 : vector<16xi32>
    %sub3A_229 = arith.subi %mul3A_228, %gather3A_21 : vector<16xi32>
    %gt3A_230 = arith.cmpi sgt, %sub3A_229, %select_n3A_225 : vector<16xi32>
    %select_n3A_231 = arith.select %gt3A_230, %gather3A_21, %select_n3A_224 : vector<16xi1>, vector<16xi32>
    %select_n3A_232 = arith.select %gt3A_230, %sub3A_229, %select_n3A_225 : vector<16xi1>, vector<16xi32>
    %mul3A_233 = arith.constant 1000 : i32
    %mul3A_234 = vector.broadcast %mul3A_233 : i32 to vector<16xi32>
    %mul3A_235 = arith.muli %add3A_179, %mul3A_234 : vector<16xi32>
    %sub3A_236 = arith.subi %mul3A_235, %gather3A_28 : vector<16xi32>
    %gt3A_237 = arith.cmpi sgt, %sub3A_236, %select_n3A_232 : vector<16xi32>
    %select_n3A_238 = arith.select %gt3A_237, %gather3A_28, %select_n3A_231 : vector<16xi1>, vector<16xi32>
    %select_n3A_239 = arith.select %gt3A_237, %sub3A_236, %select_n3A_232 : vector<16xi1>, vector<16xi32>
    %mul3A_240 = arith.constant 1000 : i32
    %mul3A_241 = vector.broadcast %mul3A_240 : i32 to vector<16xi32>
    %mul3A_242 = arith.muli %add3A_216, %mul3A_241 : vector<16xi32>
    %sub3A_243 = arith.subi %mul3A_242, %gather3A_35 : vector<16xi32>
    %gt3A_244 = arith.cmpi sgt, %sub3A_243, %select_n3A_239 : vector<16xi32>
    %select_n3A_245 = arith.select %gt3A_244, %gather3A_35, %select_n3A_238 : vector<16xi1>, vector<16xi32>
    %select_n3A_246 = arith.select %gt3A_244, %sub3A_243, %select_n3A_239 : vector<16xi1>, vector<16xi32>
    %swap3A = arith.constant 0 : index
    %swap3A_247 = tpu.vector_load %arg7[%swap3A] {strides = array<i32>} : memref<32xi32, #tpu.memory_space<vmem>>, vector<16xi32>,
    tpu.vector_store %arg7[%swap3A], %select_n3A_245 {strides = array<i32>} : memref<32xi32, #tpu.memory_space<vmem>>, vector<16xi32>,
    %add3A_248 = arith.constant 16 : i32
    %add3A_249 = arith.addi %mul3A_2, %add3A_248 : i32
    %get3A_250 = arith.constant 0 : i32
    %get3A_251 = arith.index_cast %get3A_250 : i32 to index
    %get3A_252 = arith.index_cast %add3A_249 : i32 to index
    %get3A_253 = tpu.vector_load %arg6[%get3A_251, %get3A_252] {strides = array<i32>} : memref<8x1024xi32, #tpu.memory_space<vmem>>, vector<16xi32>,
    %gather3A_254 = tpu.vector_load_idx %arg5[%get3A_253] : memref<100000xi32, #tpu.memory_space<vmem>>[vector<16xi32>], vector<16xi32>,
    %add3A_255 = arith.constant 16 : i32
    %add3A_256 = arith.addi %mul3A_2, %add3A_255 : i32
    %get3A_257 = arith.constant 1 : i32
    %get3A_258 = arith.index_cast %get3A_257 : i32 to index
    %get3A_259 = arith.index_cast %add3A_256 : i32 to index
    %get3A_260 = tpu.vector_load %arg6[%get3A_258, %get3A_259] {strides = array<i32>} : memref<8x1024xi32, #tpu.memory_space<vmem>>, vector<16xi32>,
    %gather3A_261 = tpu.vector_load_idx %arg5[%get3A_260] : memref<100000xi32, #tpu.memory_space<vmem>>[vector<16xi32>], vector<16xi32>,
    %add3A_262 = arith.constant 16 : i32
    %add3A_263 = arith.addi %mul3A_2, %add3A_262 : i32
    %get3A_264 = arith.constant 2 : i32
    %get3A_265 = arith.index_cast %get3A_264 : i32 to index
    %get3A_266 = arith.index_cast %add3A_263 : i32 to index
    %get3A_267 = tpu.vector_load %arg6[%get3A_265, %get3A_266] {strides = array<i32>} : memref<8x1024xi32, #tpu.memory_space<vmem>>, vector<16xi32>,
    %gather3A_268 = tpu.vector_load_idx %arg5[%get3A_267] : memref<100000xi32, #tpu.memory_space<vmem>>[vector<16xi32>], vector<16xi32>,
    %add3A_269 = arith.constant 16 : i32
    %add3A_270 = arith.addi %mul3A_2, %add3A_269 : i32
    %get3A_271 = arith.constant 3 : i32
    %get3A_272 = arith.index_cast %get3A_271 : i32 to index
    %get3A_273 = arith.index_cast %add3A_270 : i32 to index
    %get3A_274 = tpu.vector_load %arg6[%get3A_272, %get3A_273] {strides = array<i32>} : memref<8x1024xi32, #tpu.memory_space<vmem>>, vector<16xi32>,
    %gather3A_275 = tpu.vector_load_idx %arg5[%get3A_274] : memref<100000xi32, #tpu.memory_space<vmem>>[vector<16xi32>], vector<16xi32>,
    %add3A_276 = arith.constant 16 : i32
    %add3A_277 = arith.addi %mul3A_2, %add3A_276 : i32
    %get3A_278 = arith.constant 4 : i32
    %get3A_279 = arith.index_cast %get3A_278 : i32 to index
    %get3A_280 = arith.index_cast %add3A_277 : i32 to index
    %get3A_281 = tpu.vector_load %arg6[%get3A_279, %get3A_280] {strides = array<i32>} : memref<8x1024xi32, #tpu.memory_space<vmem>>, vector<16xi32>,
    %gather3A_282 = tpu.vector_load_idx %arg5[%get3A_281] : memref<100000xi32, #tpu.memory_space<vmem>>[vector<16xi32>], vector<16xi32>,
    %broadcast_in_dim3A_283 = arith.constant 0 : i32
    %broadcast_in_dim3A_284 = vector.broadcast %broadcast_in_dim3A_283 : i32 to vector<16xi32>
    %eq3A_285 = arith.cmpi eq, %gather3A_254, %gather3A_254 : vector<16xi32>
    %jit3A_286 = arith.constant 1 : i32
    %jit3A_287 = arith.constant 0 : i32
    %broadcast_in_dim3A_288 = vector.broadcast %jit3A_286 : i32 to vector<16xi32>
    %broadcast_in_dim3A_289 = vector.broadcast %jit3A_287 : i32 to vector<16xi32>
    %select_n3A_290 = arith.select %eq3A_285, %broadcast_in_dim3A_288, %broadcast_in_dim3A_289 : vector<16xi1>, vector<16xi32>
    %add3A_291 = arith.addi %broadcast_in_dim3A_284, %select_n3A_290 : vector<16xi32>
    %eq3A_292 = arith.cmpi eq, %gather3A_254, %gather3A_261 : vector<16xi32>
    %jit3A_293 = arith.constant 1 : i32
    %jit3A_294 = arith.constant 0 : i32
    %broadcast_in_dim3A_295 = vector.broadcast %jit3A_293 : i32 to vector<16xi32>
    %broadcast_in_dim3A_296 = vector.broadcast %jit3A_294 : i32 to vector<16xi32>
    %select_n3A_297 = arith.select %eq3A_292, %broadcast_in_dim3A_295, %broadcast_in_dim3A_296 : vector<16xi1>, vector<16xi32>
    %add3A_298 = arith.addi %add3A_291, %select_n3A_297 : vector<16xi32>
    %eq3A_299 = arith.cmpi eq, %gather3A_254, %gather3A_268 : vector<16xi32>
    %jit3A_300 = arith.constant 1 : i32
    %jit3A_301 = arith.constant 0 : i32
    %broadcast_in_dim3A_302 = vector.broadcast %jit3A_300 : i32 to vector<16xi32>
    %broadcast_in_dim3A_303 = vector.broadcast %jit3A_301 : i32 to vector<16xi32>
    %select_n3A_304 = arith.select %eq3A_299, %broadcast_in_dim3A_302, %broadcast_in_dim3A_303 : vector<16xi1>, vector<16xi32>
    %add3A_305 = arith.addi %add3A_298, %select_n3A_304 : vector<16xi32>
    %eq3A_306 = arith.cmpi eq, %gather3A_254, %gather3A_275 : vector<16xi32>
    %jit3A_307 = arith.constant 1 : i32
    %jit3A_308 = arith.constant 0 : i32
    %broadcast_in_dim3A_309 = vector.broadcast %jit3A_307 : i32 to vector<16xi32>
    %broadcast_in_dim3A_310 = vector.broadcast %jit3A_308 : i32 to vector<16xi32>
    %select_n3A_311 = arith.select %eq3A_306, %broadcast_in_dim3A_309, %broadcast_in_dim3A_310 : vector<16xi1>, vector<16xi32>
    %add3A_312 = arith.addi %add3A_305, %select_n3A_311 : vector<16xi32>
    %eq3A_313 = arith.cmpi eq, %gather3A_254, %gather3A_282 : vector<16xi32>
    %jit3A_314 = arith.constant 1 : i32
    %jit3A_315 = arith.constant 0 : i32
    %broadcast_in_dim3A_316 = vector.broadcast %jit3A_314 : i32 to vector<16xi32>
    %broadcast_in_dim3A_317 = vector.broadcast %jit3A_315 : i32 to vector<16xi32>
    %select_n3A_318 = arith.select %eq3A_313, %broadcast_in_dim3A_316, %broadcast_in_dim3A_317 : vector<16xi1>, vector<16xi32>
    %add3A_319 = arith.addi %add3A_312, %select_n3A_318 : vector<16xi32>
    %broadcast_in_dim3A_320 = arith.constant 0 : i32
    %broadcast_in_dim3A_321 = vector.broadcast %broadcast_in_dim3A_320 : i32 to vector<16xi32>
    %eq3A_322 = arith.cmpi eq, %gather3A_261, %gather3A_254 : vector<16xi32>
    %jit3A_323 = arith.constant 1 : i32
    %jit3A_324 = arith.constant 0 : i32
    %broadcast_in_dim3A_325 = vector.broadcast %jit3A_323 : i32 to vector<16xi32>
    %broadcast_in_dim3A_326 = vector.broadcast %jit3A_324 : i32 to vector<16xi32>
    %select_n3A_327 = arith.select %eq3A_322, %broadcast_in_dim3A_325, %broadcast_in_dim3A_326 : vector<16xi1>, vector<16xi32>
    %add3A_328 = arith.addi %broadcast_in_dim3A_321, %select_n3A_327 : vector<16xi32>
    %eq3A_329 = arith.cmpi eq, %gather3A_261, %gather3A_261 : vector<16xi32>
    %jit3A_330 = arith.constant 1 : i32
    %jit3A_331 = arith.constant 0 : i32
    %broadcast_in_dim3A_332 = vector.broadcast %jit3A_330 : i32 to vector<16xi32>
    %broadcast_in_dim3A_333 = vector.broadcast %jit3A_331 : i32 to vector<16xi32>
    %select_n3A_334 = arith.select %eq3A_329, %broadcast_in_dim3A_332, %broadcast_in_dim3A_333 : vector<16xi1>, vector<16xi32>
    %add3A_335 = arith.addi %add3A_328, %select_n3A_334 : vector<16xi32>
    %eq3A_336 = arith.cmpi eq, %gather3A_261, %gather3A_268 : vector<16xi32>
    %jit3A_337 = arith.constant 1 : i32
    %jit3A_338 = arith.constant 0 : i32
    %broadcast_in_dim3A_339 = vector.broadcast %jit3A_337 : i32 to vector<16xi32>
    %broadcast_in_dim3A_340 = vector.broadcast %jit3A_338 : i32 to vector<16xi32>
    %select_n3A_341 = arith.select %eq3A_336, %broadcast_in_dim3A_339, %broadcast_in_dim3A_340 : vector<16xi1>, vector<16xi32>
    %add3A_342 = arith.addi %add3A_335, %select_n3A_341 : vector<16xi32>
    %eq3A_343 = arith.cmpi eq, %gather3A_261, %gather3A_275 : vector<16xi32>
    %jit3A_344 = arith.constant 1 : i32
    %jit3A_345 = arith.constant 0 : i32
    %broadcast_in_dim3A_346 = vector.broadcast %jit3A_344 : i32 to vector<16xi32>
    %broadcast_in_dim3A_347 = vector.broadcast %jit3A_345 : i32 to vector<16xi32>
    %select_n3A_348 = arith.select %eq3A_343, %broadcast_in_dim3A_346, %broadcast_in_dim3A_347 : vector<16xi1>, vector<16xi32>
    %add3A_349 = arith.addi %add3A_342, %select_n3A_348 : vector<16xi32>
    %eq3A_350 = arith.cmpi eq, %gather3A_261, %gather3A_282 : vector<16xi32>
    %jit3A_351 = arith.constant 1 : i32
    %jit3A_352 = arith.constant 0 : i32
    %broadcast_in_dim3A_353 = vector.broadcast %jit3A_351 : i32 to vector<16xi32>
    %broadcast_in_dim3A_354 = vector.broadcast %jit3A_352 : i32 to vector<16xi32>
    %select_n3A_355 = arith.select %eq3A_350, %broadcast_in_dim3A_353, %broadcast_in_dim3A_354 : vector<16xi1>, vector<16xi32>
    %add3A_356 = arith.addi %add3A_349, %select_n3A_355 : vector<16xi32>
    %broadcast_in_dim3A_357 = arith.constant 0 : i32
    %broadcast_in_dim3A_358 = vector.broadcast %broadcast_in_dim3A_357 : i32 to vector<16xi32>
    %eq3A_359 = arith.cmpi eq, %gather3A_268, %gather3A_254 : vector<16xi32>
    %jit3A_360 = arith.constant 1 : i32
    %jit3A_361 = arith.constant 0 : i32
    %broadcast_in_dim3A_362 = vector.broadcast %jit3A_360 : i32 to vector<16xi32>
    %broadcast_in_dim3A_363 = vector.broadcast %jit3A_361 : i32 to vector<16xi32>
    %select_n3A_364 = arith.select %eq3A_359, %broadcast_in_dim3A_362, %broadcast_in_dim3A_363 : vector<16xi1>, vector<16xi32>
    %add3A_365 = arith.addi %broadcast_in_dim3A_358, %select_n3A_364 : vector<16xi32>
    %eq3A_366 = arith.cmpi eq, %gather3A_268, %gather3A_261 : vector<16xi32>
    %jit3A_367 = arith.constant 1 : i32
    %jit3A_368 = arith.constant 0 : i32
    %broadcast_in_dim3A_369 = vector.broadcast %jit3A_367 : i32 to vector<16xi32>
    %broadcast_in_dim3A_370 = vector.broadcast %jit3A_368 : i32 to vector<16xi32>
    %select_n3A_371 = arith.select %eq3A_366, %broadcast_in_dim3A_369, %broadcast_in_dim3A_370 : vector<16xi1>, vector<16xi32>
    %add3A_372 = arith.addi %add3A_365, %select_n3A_371 : vector<16xi32>
    %eq3A_373 = arith.cmpi eq, %gather3A_268, %gather3A_268 : vector<16xi32>
    %jit3A_374 = arith.constant 1 : i32
    %jit3A_375 = arith.constant 0 : i32
    %broadcast_in_dim3A_376 = vector.broadcast %jit3A_374 : i32 to vector<16xi32>
    %broadcast_in_dim3A_377 = vector.broadcast %jit3A_375 : i32 to vector<16xi32>
    %select_n3A_378 = arith.select %eq3A_373, %broadcast_in_dim3A_376, %broadcast_in_dim3A_377 : vector<16xi1>, vector<16xi32>
    %add3A_379 = arith.addi %add3A_372, %select_n3A_378 : vector<16xi32>
    %eq3A_380 = arith.cmpi eq, %gather3A_268, %gather3A_275 : vector<16xi32>
    %jit3A_381 = arith.constant 1 : i32
    %jit3A_382 = arith.constant 0 : i32
    %broadcast_in_dim3A_383 = vector.broadcast %jit3A_381 : i32 to vector<16xi32>
    %broadcast_in_dim3A_384 = vector.broadcast %jit3A_382 : i32 to vector<16xi32>
    %select_n3A_385 = arith.select %eq3A_380, %broadcast_in_dim3A_383, %broadcast_in_dim3A_384 : vector<16xi1>, vector<16xi32>
    %add3A_386 = arith.addi %add3A_379, %select_n3A_385 : vector<16xi32>
    %eq3A_387 = arith.cmpi eq, %gather3A_268, %gather3A_282 : vector<16xi32>
    %jit3A_388 = arith.constant 1 : i32
    %jit3A_389 = arith.constant 0 : i32
    %broadcast_in_dim3A_390 = vector.broadcast %jit3A_388 : i32 to vector<16xi32>
    %broadcast_in_dim3A_391 = vector.broadcast %jit3A_389 : i32 to vector<16xi32>
    %select_n3A_392 = arith.select %eq3A_387, %broadcast_in_dim3A_390, %broadcast_in_dim3A_391 : vector<16xi1>, vector<16xi32>
    %add3A_393 = arith.addi %add3A_386, %select_n3A_392 : vector<16xi32>
    %broadcast_in_dim3A_394 = arith.constant 0 : i32
    %broadcast_in_dim3A_395 = vector.broadcast %broadcast_in_dim3A_394 : i32 to vector<16xi32>
    %eq3A_396 = arith.cmpi eq, %gather3A_275, %gather3A_254 : vector<16xi32>
    %jit3A_397 = arith.constant 1 : i32
    %jit3A_398 = arith.constant 0 : i32
    %broadcast_in_dim3A_399 = vector.broadcast %jit3A_397 : i32 to vector<16xi32>
    %broadcast_in_dim3A_400 = vector.broadcast %jit3A_398 : i32 to vector<16xi32>
    %select_n3A_401 = arith.select %eq3A_396, %broadcast_in_dim3A_399, %broadcast_in_dim3A_400 : vector<16xi1>, vector<16xi32>
    %add3A_402 = arith.addi %broadcast_in_dim3A_395, %select_n3A_401 : vector<16xi32>
    %eq3A_403 = arith.cmpi eq, %gather3A_275, %gather3A_261 : vector<16xi32>
    %jit3A_404 = arith.constant 1 : i32
    %jit3A_405 = arith.constant 0 : i32
    %broadcast_in_dim3A_406 = vector.broadcast %jit3A_404 : i32 to vector<16xi32>
    %broadcast_in_dim3A_407 = vector.broadcast %jit3A_405 : i32 to vector<16xi32>
    %select_n3A_408 = arith.select %eq3A_403, %broadcast_in_dim3A_406, %broadcast_in_dim3A_407 : vector<16xi1>, vector<16xi32>
    %add3A_409 = arith.addi %add3A_402, %select_n3A_408 : vector<16xi32>
    %eq3A_410 = arith.cmpi eq, %gather3A_275, %gather3A_268 : vector<16xi32>
    %jit3A_411 = arith.constant 1 : i32
    %jit3A_412 = arith.constant 0 : i32
    %broadcast_in_dim3A_413 = vector.broadcast %jit3A_411 : i32 to vector<16xi32>
    %broadcast_in_dim3A_414 = vector.broadcast %jit3A_412 : i32 to vector<16xi32>
    %select_n3A_415 = arith.select %eq3A_410, %broadcast_in_dim3A_413, %broadcast_in_dim3A_414 : vector<16xi1>, vector<16xi32>
    %add3A_416 = arith.addi %add3A_409, %select_n3A_415 : vector<16xi32>
    %eq3A_417 = arith.cmpi eq, %gather3A_275, %gather3A_275 : vector<16xi32>
    %jit3A_418 = arith.constant 1 : i32
    %jit3A_419 = arith.constant 0 : i32
    %broadcast_in_dim3A_420 = vector.broadcast %jit3A_418 : i32 to vector<16xi32>
    %broadcast_in_dim3A_421 = vector.broadcast %jit3A_419 : i32 to vector<16xi32>
    %select_n3A_422 = arith.select %eq3A_417, %broadcast_in_dim3A_420, %broadcast_in_dim3A_421 : vector<16xi1>, vector<16xi32>
    %add3A_423 = arith.addi %add3A_416, %select_n3A_422 : vector<16xi32>
    %eq3A_424 = arith.cmpi eq, %gather3A_275, %gather3A_282 : vector<16xi32>
    %jit3A_425 = arith.constant 1 : i32
    %jit3A_426 = arith.constant 0 : i32
    %broadcast_in_dim3A_427 = vector.broadcast %jit3A_425 : i32 to vector<16xi32>
    %broadcast_in_dim3A_428 = vector.broadcast %jit3A_426 : i32 to vector<16xi32>
    %select_n3A_429 = arith.select %eq3A_424, %broadcast_in_dim3A_427, %broadcast_in_dim3A_428 : vector<16xi1>, vector<16xi32>
    %add3A_430 = arith.addi %add3A_423, %select_n3A_429 : vector<16xi32>
    %broadcast_in_dim3A_431 = arith.constant 0 : i32
    %broadcast_in_dim3A_432 = vector.broadcast %broadcast_in_dim3A_431 : i32 to vector<16xi32>
    %eq3A_433 = arith.cmpi eq, %gather3A_282, %gather3A_254 : vector<16xi32>
    %jit3A_434 = arith.constant 1 : i32
    %jit3A_435 = arith.constant 0 : i32
    %broadcast_in_dim3A_436 = vector.broadcast %jit3A_434 : i32 to vector<16xi32>
    %broadcast_in_dim3A_437 = vector.broadcast %jit3A_435 : i32 to vector<16xi32>
    %select_n3A_438 = arith.select %eq3A_433, %broadcast_in_dim3A_436, %broadcast_in_dim3A_437 : vector<16xi1>, vector<16xi32>
    %add3A_439 = arith.addi %broadcast_in_dim3A_432, %select_n3A_438 : vector<16xi32>
    %eq3A_440 = arith.cmpi eq, %gather3A_282, %gather3A_261 : vector<16xi32>
    %jit3A_441 = arith.constant 1 : i32
    %jit3A_442 = arith.constant 0 : i32
    %broadcast_in_dim3A_443 = vector.broadcast %jit3A_441 : i32 to vector<16xi32>
    %broadcast_in_dim3A_444 = vector.broadcast %jit3A_442 : i32 to vector<16xi32>
    %select_n3A_445 = arith.select %eq3A_440, %broadcast_in_dim3A_443, %broadcast_in_dim3A_444 : vector<16xi1>, vector<16xi32>
    %add3A_446 = arith.addi %add3A_439, %select_n3A_445 : vector<16xi32>
    %eq3A_447 = arith.cmpi eq, %gather3A_282, %gather3A_268 : vector<16xi32>
    %jit3A_448 = arith.constant 1 : i32
    %jit3A_449 = arith.constant 0 : i32
    %broadcast_in_dim3A_450 = vector.broadcast %jit3A_448 : i32 to vector<16xi32>
    %broadcast_in_dim3A_451 = vector.broadcast %jit3A_449 : i32 to vector<16xi32>
    %select_n3A_452 = arith.select %eq3A_447, %broadcast_in_dim3A_450, %broadcast_in_dim3A_451 : vector<16xi1>, vector<16xi32>
    %add3A_453 = arith.addi %add3A_446, %select_n3A_452 : vector<16xi32>
    %eq3A_454 = arith.cmpi eq, %gather3A_282, %gather3A_275 : vector<16xi32>
    %jit3A_455 = arith.constant 1 : i32
    %jit3A_456 = arith.constant 0 : i32
    %broadcast_in_dim3A_457 = vector.broadcast %jit3A_455 : i32 to vector<16xi32>
    %broadcast_in_dim3A_458 = vector.broadcast %jit3A_456 : i32 to vector<16xi32>
    %select_n3A_459 = arith.select %eq3A_454, %broadcast_in_dim3A_457, %broadcast_in_dim3A_458 : vector<16xi1>, vector<16xi32>
    %add3A_460 = arith.addi %add3A_453, %select_n3A_459 : vector<16xi32>
    %eq3A_461 = arith.cmpi eq, %gather3A_282, %gather3A_282 : vector<16xi32>
    %jit3A_462 = arith.constant 1 : i32
    %jit3A_463 = arith.constant 0 : i32
    %broadcast_in_dim3A_464 = vector.broadcast %jit3A_462 : i32 to vector<16xi32>
    %broadcast_in_dim3A_465 = vector.broadcast %jit3A_463 : i32 to vector<16xi32>
    %select_n3A_466 = arith.select %eq3A_461, %broadcast_in_dim3A_464, %broadcast_in_dim3A_465 : vector<16xi1>, vector<16xi32>
    %add3A_467 = arith.addi %add3A_460, %select_n3A_466 : vector<16xi32>
    %mul3A_468 = arith.constant 1000 : i32
    %mul3A_469 = vector.broadcast %mul3A_468 : i32 to vector<16xi32>
    %mul3A_470 = arith.muli %add3A_319, %mul3A_469 : vector<16xi32>
    %sub3A_471 = arith.subi %mul3A_470, %gather3A_254 : vector<16xi32>
    %mul3A_472 = arith.constant 1000 : i32
    %mul3A_473 = vector.broadcast %mul3A_472 : i32 to vector<16xi32>
    %mul3A_474 = arith.muli %add3A_356, %mul3A_473 : vector<16xi32>
    %sub3A_475 = arith.subi %mul3A_474, %gather3A_261 : vector<16xi32>
    %gt3A_476 = arith.cmpi sgt, %sub3A_475, %sub3A_471 : vector<16xi32>
    %select_n3A_477 = arith.select %gt3A_476, %gather3A_261, %gather3A_254 : vector<16xi1>, vector<16xi32>
    %select_n3A_478 = arith.select %gt3A_476, %sub3A_475, %sub3A_471 : vector<16xi1>, vector<16xi32>
    %mul3A_479 = arith.constant 1000 : i32
    %mul3A_480 = vector.broadcast %mul3A_479 : i32 to vector<16xi32>
    %mul3A_481 = arith.muli %add3A_393, %mul3A_480 : vector<16xi32>
    %sub3A_482 = arith.subi %mul3A_481, %gather3A_268 : vector<16xi32>
    %gt3A_483 = arith.cmpi sgt, %sub3A_482, %select_n3A_478 : vector<16xi32>
    %select_n3A_484 = arith.select %gt3A_483, %gather3A_268, %select_n3A_477 : vector<16xi1>, vector<16xi32>
    %select_n3A_485 = arith.select %gt3A_483, %sub3A_482, %select_n3A_478 : vector<16xi1>, vector<16xi32>
    %mul3A_486 = arith.constant 1000 : i32
    %mul3A_487 = vector.broadcast %mul3A_486 : i32 to vector<16xi32>
    %mul3A_488 = arith.muli %add3A_430, %mul3A_487 : vector<16xi32>
    %sub3A_489 = arith.subi %mul3A_488, %gather3A_275 : vector<16xi32>
    %gt3A_490 = arith.cmpi sgt, %sub3A_489, %select_n3A_485 : vector<16xi32>
    %select_n3A_491 = arith.select %gt3A_490, %gather3A_275, %select_n3A_484 : vector<16xi1>, vector<16xi32>
    %select_n3A_492 = arith.select %gt3A_490, %sub3A_489, %select_n3A_485 : vector<16xi1>, vector<16xi32>
    %mul3A_493 = arith.constant 1000 : i32
    %mul3A_494 = vector.broadcast %mul3A_493 : i32 to vector<16xi32>
    %mul3A_495 = arith.muli %add3A_467, %mul3A_494 : vector<16xi32>
    %sub3A_496 = arith.subi %mul3A_495, %gather3A_282 : vector<16xi32>
    %gt3A_497 = arith.cmpi sgt, %sub3A_496, %select_n3A_492 : vector<16xi32>
    %select_n3A_498 = arith.select %gt3A_497, %gather3A_282, %select_n3A_491 : vector<16xi1>, vector<16xi32>
    %select_n3A_499 = arith.select %gt3A_497, %sub3A_496, %select_n3A_492 : vector<16xi1>, vector<16xi32>
    %swap3A_500 = arith.constant 16 : index
    %swap3A_501 = tpu.vector_load %arg7[%swap3A_500] {strides = array<i32>} : memref<32xi32, #tpu.memory_space<vmem>>, vector<16xi32>,
    tpu.vector_store %arg7[%swap3A_500], %select_n3A_498 {strides = array<i32>} : memref<32xi32, #tpu.memory_space<vmem>>, vector<16xi32>,
    "tpu.region"() ({
      %run_scoped3A = tpu.sem_alloc : memref<!tpu.dma_semaphore, #tpu.memory_space<semaphore_mem>>
      %dma_start3A = tpu.memref_slice %arg4[%mul3A_2] : memref<1024xi32, #tpu.memory_space<hbm>> -> memref<32xi32, #tpu.memory_space<hbm>>
      %dma_start3A_502 = tpu.memref_slice %arg4[%mul3A_2] : memref<1024xi32, #tpu.memory_space<hbm>> -> memref<32xi32, #tpu.memory_space<hbm>>
      tpu.enqueue_dma source(%arg7 : memref<32xi32, #tpu.memory_space<vmem>>) target(%dma_start3A_502 : memref<32xi32, #tpu.memory_space<hbm>>) target_semaphore(%run_scoped3A : memref<!tpu.dma_semaphore, #tpu.memory_space<semaphore_mem>>)
      %dma_wait3A = tpu.memref_slice %arg4[%mul3A_2] : memref<1024xi32, #tpu.memory_space<hbm>> -> memref<32xi32, #tpu.memory_space<hbm>>
      %dma_wait3A_503 = tpu.memref_slice %arg4[%mul3A_2] : memref<1024xi32, #tpu.memory_space<hbm>> -> memref<32xi32, #tpu.memory_space<hbm>>
      tpu.wait_dma2 semaphore(%run_scoped3A : memref<!tpu.dma_semaphore, #tpu.memory_space<semaphore_mem>>) src(%arg7 : memref<32xi32, #tpu.memory_space<vmem>>) dst(%dma_wait3A_503 : memref<32xi32, #tpu.memory_space<hbm>>)
      tpu.yield
    }) : () -> ()
    return
  }
}

module attributes {stable_mosaic.version = 14 : i64} {
  func.func @_stage1_body(%arg0: i32, %arg1: memref<32x4096xf32, #tpu.memory_space<vmem>>, %arg2: memref<1024x32xf32, #tpu.memory_space<vmem>>, %arg3: memref<1x1024x128xf32, #tpu.memory_space<vmem>>, %arg4: memref<1x1024x128xf32, #tpu.memory_space<vmem>>, %arg5: memref<1x1024x128xi32, #tpu.memory_space<vmem>>, %arg6: memref<1x1024x128xi32, #tpu.memory_space<vmem>>) attributes {dimension_semantics = [#tpu.dimension_semantics<arbitrary>], iteration_bounds = array<i64: 25>, scalar_prefetch = 0 : i64, scratch_operands = 0 : i64, tpu.core_type = #tpu.core_type<tc>, window_params = [{transform_indices = @transform_0, window_bounds = array<i64: 32, 4096>}, {pipeline_mode = #tpu.pipeline_mode<synchronous>, transform_indices = @transform_1, window_bounds = array<i64: 1024, 32>}, {transform_indices = @transform_2, window_bounds = array<i64: 1, 1024, 128>}, {transform_indices = @transform_3, window_bounds = array<i64: 1, 1024, 128>}, {transform_indices = @transform_4, window_bounds = array<i64: 1, 1024, 128>}, {transform_indices = @transform_5, window_bounds = array<i64: 1, 1024, 128>}]} {
    %get3A = arith.constant 0 : index
    %get3A_0 = arith.constant 0 : index
    %get3A_1 = vector.load %arg2[%get3A, %get3A_0] : memref<1024x32xf32, #tpu.memory_space<vmem>>, vector<1024x32xf32>
    %get3A_2 = arith.constant 0 : index
    %get3A_3 = arith.constant 0 : index
    %get3A_4 = vector.load %arg1[%get3A_2, %get3A_3] : memref<32x4096xf32, #tpu.memory_space<vmem>>, vector<32x4096xf32>
    %mul3A = arith.constant -5.000000e-01 : f32
    %mul3A_5 = vector.broadcast %mul3A : f32 to vector<1024x32xf32>
    %mul3A_6 = arith.mulf %get3A_1, %mul3A_5 : vector<1024x32xf32>
    %mul3A_7 = arith.mulf %mul3A_6, %mul3A_6 : vector<1024x32xf32>
    %reduce_sum3A = arith.constant dense<0.000000e+00> : vector<1024xf32>
    %reduce_sum3A_8 = vector.multi_reduction <add>, %mul3A_7, %reduce_sum3A [1] : vector<1024x32xf32> to vector<1024xf32>
    %broadcast_in_dim3A = vector.shape_cast %reduce_sum3A_8 : vector<1024xf32> to vector<1024x1xf32>
    %mul3A_9 = arith.mulf %get3A_4, %get3A_4 : vector<32x4096xf32>
    %reduce_sum3A_10 = arith.constant dense<0.000000e+00> : vector<4096xf32>
    %reduce_sum3A_11 = vector.multi_reduction <add>, %mul3A_9, %reduce_sum3A_10 [0] : vector<32x4096xf32> to vector<4096xf32>
    %broadcast_in_dim3A_12 = vector.shape_cast %reduce_sum3A_11 : vector<4096xf32> to vector<1x4096xf32>
    %dot_general3A = arith.constant dense<0.000000e+00> : vector<1024x4096xf32>
    %dot_general3A_13 = tpu.matmul %get3A_1, %get3A_4, %dot_general3A {dimension_numbers = #tpu.dot_dimension_numbers<[1], [0], [0], [1], [0, 0, 1, 1], [], []>, transpose_lhs_hint = false} : vector<1024x32xf32>, vector<32x4096xf32>, vector<1024x4096xf32> -> vector<1024x4096xf32>
    %add3A = vector.broadcast %broadcast_in_dim3A : vector<1024x1xf32> to vector<1024x4096xf32>
    %add3A_14 = vector.broadcast %broadcast_in_dim3A_12 : vector<1x4096xf32> to vector<1024x4096xf32>
    %add3A_15 = arith.addf %add3A, %add3A_14 : vector<1024x4096xf32>
    %add3A_16 = arith.addf %add3A_15, %dot_general3A_13 : vector<1024x4096xf32>
    %broadcast_in_dim3A_17 = arith.constant 0x7F800000 : f32
    %broadcast_in_dim3A_18 = vector.broadcast %broadcast_in_dim3A_17 : f32 to vector<1024x128xf32>
    %broadcast_in_dim3A_19 = arith.constant 0 : i32
    %broadcast_in_dim3A_20 = vector.broadcast %broadcast_in_dim3A_19 : i32 to vector<1024x128xi32>
    %slice3A = vector.extract_strided_slice %add3A_16 {offsets = [0, 0], sizes = [1024, 128], strides = [1, 1]} : vector<1024x4096xf32> to vector<1024x128xf32>
    %lt3A = arith.cmpf olt, %slice3A, %broadcast_in_dim3A_18 : vector<1024x128xf32>
    %lt3A_21 = arith.cmpf olt, %slice3A, %broadcast_in_dim3A_18 : vector<1024x128xf32>
    %select_n3A = arith.select %lt3A_21, %slice3A, %broadcast_in_dim3A_18 : vector<1024x128xi1>, vector<1024x128xf32>
    %select_n3A_22 = arith.select %lt3A, %broadcast_in_dim3A_18, %select_n3A : vector<1024x128xi1>, vector<1024x128xf32>
    %jit3A = arith.constant 0 : i32
    %broadcast_in_dim3A_23 = vector.broadcast %jit3A : i32 to vector<1024x128xi32>
    %select_n3A_24 = arith.select %lt3A_21, %broadcast_in_dim3A_23, %broadcast_in_dim3A_20 : vector<1024x128xi1>, vector<1024x128xi32>
    %select_n3A_25 = arith.select %lt3A, %broadcast_in_dim3A_20, %select_n3A_24 : vector<1024x128xi1>, vector<1024x128xi32>
    %select_n3A_26 = arith.select %lt3A, %slice3A, %broadcast_in_dim3A_18 : vector<1024x128xi1>, vector<1024x128xf32>
    %jit3A_27 = arith.constant 0 : i32
    %broadcast_in_dim3A_28 = vector.broadcast %jit3A_27 : i32 to vector<1024x128xi32>
    %select_n3A_29 = arith.select %lt3A, %broadcast_in_dim3A_28, %broadcast_in_dim3A_20 : vector<1024x128xi1>, vector<1024x128xi32>
    %slice3A_30 = vector.extract_strided_slice %add3A_16 {offsets = [0, 128], sizes = [1024, 128], strides = [1, 1]} : vector<1024x4096xf32> to vector<1024x128xf32>
    %lt3A_31 = arith.cmpf olt, %slice3A_30, %select_n3A_26 : vector<1024x128xf32>
    %lt3A_32 = arith.cmpf olt, %slice3A_30, %select_n3A_22 : vector<1024x128xf32>
    %select_n3A_33 = arith.select %lt3A_32, %slice3A_30, %select_n3A_22 : vector<1024x128xi1>, vector<1024x128xf32>
    %select_n3A_34 = arith.select %lt3A_31, %select_n3A_26, %select_n3A_33 : vector<1024x128xi1>, vector<1024x128xf32>
    %jit3A_35 = arith.constant 1 : i32
    %broadcast_in_dim3A_36 = vector.broadcast %jit3A_35 : i32 to vector<1024x128xi32>
    %select_n3A_37 = arith.select %lt3A_32, %broadcast_in_dim3A_36, %select_n3A_25 : vector<1024x128xi1>, vector<1024x128xi32>
    %select_n3A_38 = arith.select %lt3A_31, %select_n3A_29, %select_n3A_37 : vector<1024x128xi1>, vector<1024x128xi32>
    %select_n3A_39 = arith.select %lt3A_31, %slice3A_30, %select_n3A_26 : vector<1024x128xi1>, vector<1024x128xf32>
    %jit3A_40 = arith.constant 1 : i32
    %broadcast_in_dim3A_41 = vector.broadcast %jit3A_40 : i32 to vector<1024x128xi32>
    %select_n3A_42 = arith.select %lt3A_31, %broadcast_in_dim3A_41, %select_n3A_29 : vector<1024x128xi1>, vector<1024x128xi32>
    %slice3A_43 = vector.extract_strided_slice %add3A_16 {offsets = [0, 256], sizes = [1024, 128], strides = [1, 1]} : vector<1024x4096xf32> to vector<1024x128xf32>
    %lt3A_44 = arith.cmpf olt, %slice3A_43, %select_n3A_39 : vector<1024x128xf32>
    %lt3A_45 = arith.cmpf olt, %slice3A_43, %select_n3A_34 : vector<1024x128xf32>
    %select_n3A_46 = arith.select %lt3A_45, %slice3A_43, %select_n3A_34 : vector<1024x128xi1>, vector<1024x128xf32>
    %select_n3A_47 = arith.select %lt3A_44, %select_n3A_39, %select_n3A_46 : vector<1024x128xi1>, vector<1024x128xf32>
    %jit3A_48 = arith.constant 2 : i32
    %broadcast_in_dim3A_49 = vector.broadcast %jit3A_48 : i32 to vector<1024x128xi32>
    %select_n3A_50 = arith.select %lt3A_45, %broadcast_in_dim3A_49, %select_n3A_38 : vector<1024x128xi1>, vector<1024x128xi32>
    %select_n3A_51 = arith.select %lt3A_44, %select_n3A_42, %select_n3A_50 : vector<1024x128xi1>, vector<1024x128xi32>
    %select_n3A_52 = arith.select %lt3A_44, %slice3A_43, %select_n3A_39 : vector<1024x128xi1>, vector<1024x128xf32>
    %jit3A_53 = arith.constant 2 : i32
    %broadcast_in_dim3A_54 = vector.broadcast %jit3A_53 : i32 to vector<1024x128xi32>
    %select_n3A_55 = arith.select %lt3A_44, %broadcast_in_dim3A_54, %select_n3A_42 : vector<1024x128xi1>, vector<1024x128xi32>
    %slice3A_56 = vector.extract_strided_slice %add3A_16 {offsets = [0, 384], sizes = [1024, 128], strides = [1, 1]} : vector<1024x4096xf32> to vector<1024x128xf32>
    %lt3A_57 = arith.cmpf olt, %slice3A_56, %select_n3A_52 : vector<1024x128xf32>
    %lt3A_58 = arith.cmpf olt, %slice3A_56, %select_n3A_47 : vector<1024x128xf32>
    %select_n3A_59 = arith.select %lt3A_58, %slice3A_56, %select_n3A_47 : vector<1024x128xi1>, vector<1024x128xf32>
    %select_n3A_60 = arith.select %lt3A_57, %select_n3A_52, %select_n3A_59 : vector<1024x128xi1>, vector<1024x128xf32>
    %jit3A_61 = arith.constant 3 : i32
    %broadcast_in_dim3A_62 = vector.broadcast %jit3A_61 : i32 to vector<1024x128xi32>
    %select_n3A_63 = arith.select %lt3A_58, %broadcast_in_dim3A_62, %select_n3A_51 : vector<1024x128xi1>, vector<1024x128xi32>
    %select_n3A_64 = arith.select %lt3A_57, %select_n3A_55, %select_n3A_63 : vector<1024x128xi1>, vector<1024x128xi32>
    %select_n3A_65 = arith.select %lt3A_57, %slice3A_56, %select_n3A_52 : vector<1024x128xi1>, vector<1024x128xf32>
    %jit3A_66 = arith.constant 3 : i32
    %broadcast_in_dim3A_67 = vector.broadcast %jit3A_66 : i32 to vector<1024x128xi32>
    %select_n3A_68 = arith.select %lt3A_57, %broadcast_in_dim3A_67, %select_n3A_55 : vector<1024x128xi1>, vector<1024x128xi32>
    %slice3A_69 = vector.extract_strided_slice %add3A_16 {offsets = [0, 512], sizes = [1024, 128], strides = [1, 1]} : vector<1024x4096xf32> to vector<1024x128xf32>
    %lt3A_70 = arith.cmpf olt, %slice3A_69, %select_n3A_65 : vector<1024x128xf32>
    %lt3A_71 = arith.cmpf olt, %slice3A_69, %select_n3A_60 : vector<1024x128xf32>
    %select_n3A_72 = arith.select %lt3A_71, %slice3A_69, %select_n3A_60 : vector<1024x128xi1>, vector<1024x128xf32>
    %select_n3A_73 = arith.select %lt3A_70, %select_n3A_65, %select_n3A_72 : vector<1024x128xi1>, vector<1024x128xf32>
    %jit3A_74 = arith.constant 4 : i32
    %broadcast_in_dim3A_75 = vector.broadcast %jit3A_74 : i32 to vector<1024x128xi32>
    %select_n3A_76 = arith.select %lt3A_71, %broadcast_in_dim3A_75, %select_n3A_64 : vector<1024x128xi1>, vector<1024x128xi32>
    %select_n3A_77 = arith.select %lt3A_70, %select_n3A_68, %select_n3A_76 : vector<1024x128xi1>, vector<1024x128xi32>
    %select_n3A_78 = arith.select %lt3A_70, %slice3A_69, %select_n3A_65 : vector<1024x128xi1>, vector<1024x128xf32>
    %jit3A_79 = arith.constant 4 : i32
    %broadcast_in_dim3A_80 = vector.broadcast %jit3A_79 : i32 to vector<1024x128xi32>
    %select_n3A_81 = arith.select %lt3A_70, %broadcast_in_dim3A_80, %select_n3A_68 : vector<1024x128xi1>, vector<1024x128xi32>
    %slice3A_82 = vector.extract_strided_slice %add3A_16 {offsets = [0, 640], sizes = [1024, 128], strides = [1, 1]} : vector<1024x4096xf32> to vector<1024x128xf32>
    %lt3A_83 = arith.cmpf olt, %slice3A_82, %select_n3A_78 : vector<1024x128xf32>
    %lt3A_84 = arith.cmpf olt, %slice3A_82, %select_n3A_73 : vector<1024x128xf32>
    %select_n3A_85 = arith.select %lt3A_84, %slice3A_82, %select_n3A_73 : vector<1024x128xi1>, vector<1024x128xf32>
    %select_n3A_86 = arith.select %lt3A_83, %select_n3A_78, %select_n3A_85 : vector<1024x128xi1>, vector<1024x128xf32>
    %jit3A_87 = arith.constant 5 : i32
    %broadcast_in_dim3A_88 = vector.broadcast %jit3A_87 : i32 to vector<1024x128xi32>
    %select_n3A_89 = arith.select %lt3A_84, %broadcast_in_dim3A_88, %select_n3A_77 : vector<1024x128xi1>, vector<1024x128xi32>
    %select_n3A_90 = arith.select %lt3A_83, %select_n3A_81, %select_n3A_89 : vector<1024x128xi1>, vector<1024x128xi32>
    %select_n3A_91 = arith.select %lt3A_83, %slice3A_82, %select_n3A_78 : vector<1024x128xi1>, vector<1024x128xf32>
    %jit3A_92 = arith.constant 5 : i32
    %broadcast_in_dim3A_93 = vector.broadcast %jit3A_92 : i32 to vector<1024x128xi32>
    %select_n3A_94 = arith.select %lt3A_83, %broadcast_in_dim3A_93, %select_n3A_81 : vector<1024x128xi1>, vector<1024x128xi32>
    %slice3A_95 = vector.extract_strided_slice %add3A_16 {offsets = [0, 768], sizes = [1024, 128], strides = [1, 1]} : vector<1024x4096xf32> to vector<1024x128xf32>
    %lt3A_96 = arith.cmpf olt, %slice3A_95, %select_n3A_91 : vector<1024x128xf32>
    %lt3A_97 = arith.cmpf olt, %slice3A_95, %select_n3A_86 : vector<1024x128xf32>
    %select_n3A_98 = arith.select %lt3A_97, %slice3A_95, %select_n3A_86 : vector<1024x128xi1>, vector<1024x128xf32>
    %select_n3A_99 = arith.select %lt3A_96, %select_n3A_91, %select_n3A_98 : vector<1024x128xi1>, vector<1024x128xf32>
    %jit3A_100 = arith.constant 6 : i32
    %broadcast_in_dim3A_101 = vector.broadcast %jit3A_100 : i32 to vector<1024x128xi32>
    %select_n3A_102 = arith.select %lt3A_97, %broadcast_in_dim3A_101, %select_n3A_90 : vector<1024x128xi1>, vector<1024x128xi32>
    %select_n3A_103 = arith.select %lt3A_96, %select_n3A_94, %select_n3A_102 : vector<1024x128xi1>, vector<1024x128xi32>
    %select_n3A_104 = arith.select %lt3A_96, %slice3A_95, %select_n3A_91 : vector<1024x128xi1>, vector<1024x128xf32>
    %jit3A_105 = arith.constant 6 : i32
    %broadcast_in_dim3A_106 = vector.broadcast %jit3A_105 : i32 to vector<1024x128xi32>
    %select_n3A_107 = arith.select %lt3A_96, %broadcast_in_dim3A_106, %select_n3A_94 : vector<1024x128xi1>, vector<1024x128xi32>
    %slice3A_108 = vector.extract_strided_slice %add3A_16 {offsets = [0, 896], sizes = [1024, 128], strides = [1, 1]} : vector<1024x4096xf32> to vector<1024x128xf32>
    %lt3A_109 = arith.cmpf olt, %slice3A_108, %select_n3A_104 : vector<1024x128xf32>
    %lt3A_110 = arith.cmpf olt, %slice3A_108, %select_n3A_99 : vector<1024x128xf32>
    %select_n3A_111 = arith.select %lt3A_110, %slice3A_108, %select_n3A_99 : vector<1024x128xi1>, vector<1024x128xf32>
    %select_n3A_112 = arith.select %lt3A_109, %select_n3A_104, %select_n3A_111 : vector<1024x128xi1>, vector<1024x128xf32>
    %jit3A_113 = arith.constant 7 : i32
    %broadcast_in_dim3A_114 = vector.broadcast %jit3A_113 : i32 to vector<1024x128xi32>
    %select_n3A_115 = arith.select %lt3A_110, %broadcast_in_dim3A_114, %select_n3A_103 : vector<1024x128xi1>, vector<1024x128xi32>
    %select_n3A_116 = arith.select %lt3A_109, %select_n3A_107, %select_n3A_115 : vector<1024x128xi1>, vector<1024x128xi32>
    %select_n3A_117 = arith.select %lt3A_109, %slice3A_108, %select_n3A_104 : vector<1024x128xi1>, vector<1024x128xf32>
    %jit3A_118 = arith.constant 7 : i32
    %broadcast_in_dim3A_119 = vector.broadcast %jit3A_118 : i32 to vector<1024x128xi32>
    %select_n3A_120 = arith.select %lt3A_109, %broadcast_in_dim3A_119, %select_n3A_107 : vector<1024x128xi1>, vector<1024x128xi32>
    %slice3A_121 = vector.extract_strided_slice %add3A_16 {offsets = [0, 1024], sizes = [1024, 128], strides = [1, 1]} : vector<1024x4096xf32> to vector<1024x128xf32>
    %lt3A_122 = arith.cmpf olt, %slice3A_121, %select_n3A_117 : vector<1024x128xf32>
    %lt3A_123 = arith.cmpf olt, %slice3A_121, %select_n3A_112 : vector<1024x128xf32>
    %select_n3A_124 = arith.select %lt3A_123, %slice3A_121, %select_n3A_112 : vector<1024x128xi1>, vector<1024x128xf32>
    %select_n3A_125 = arith.select %lt3A_122, %select_n3A_117, %select_n3A_124 : vector<1024x128xi1>, vector<1024x128xf32>
    %jit3A_126 = arith.constant 8 : i32
    %broadcast_in_dim3A_127 = vector.broadcast %jit3A_126 : i32 to vector<1024x128xi32>
    %select_n3A_128 = arith.select %lt3A_123, %broadcast_in_dim3A_127, %select_n3A_116 : vector<1024x128xi1>, vector<1024x128xi32>
    %select_n3A_129 = arith.select %lt3A_122, %select_n3A_120, %select_n3A_128 : vector<1024x128xi1>, vector<1024x128xi32>
    %select_n3A_130 = arith.select %lt3A_122, %slice3A_121, %select_n3A_117 : vector<1024x128xi1>, vector<1024x128xf32>
    %jit3A_131 = arith.constant 8 : i32
    %broadcast_in_dim3A_132 = vector.broadcast %jit3A_131 : i32 to vector<1024x128xi32>
    %select_n3A_133 = arith.select %lt3A_122, %broadcast_in_dim3A_132, %select_n3A_120 : vector<1024x128xi1>, vector<1024x128xi32>
    %slice3A_134 = vector.extract_strided_slice %add3A_16 {offsets = [0, 1152], sizes = [1024, 128], strides = [1, 1]} : vector<1024x4096xf32> to vector<1024x128xf32>
    %lt3A_135 = arith.cmpf olt, %slice3A_134, %select_n3A_130 : vector<1024x128xf32>
    %lt3A_136 = arith.cmpf olt, %slice3A_134, %select_n3A_125 : vector<1024x128xf32>
    %select_n3A_137 = arith.select %lt3A_136, %slice3A_134, %select_n3A_125 : vector<1024x128xi1>, vector<1024x128xf32>
    %select_n3A_138 = arith.select %lt3A_135, %select_n3A_130, %select_n3A_137 : vector<1024x128xi1>, vector<1024x128xf32>
    %jit3A_139 = arith.constant 9 : i32
    %broadcast_in_dim3A_140 = vector.broadcast %jit3A_139 : i32 to vector<1024x128xi32>
    %select_n3A_141 = arith.select %lt3A_136, %broadcast_in_dim3A_140, %select_n3A_129 : vector<1024x128xi1>, vector<1024x128xi32>
    %select_n3A_142 = arith.select %lt3A_135, %select_n3A_133, %select_n3A_141 : vector<1024x128xi1>, vector<1024x128xi32>
    %select_n3A_143 = arith.select %lt3A_135, %slice3A_134, %select_n3A_130 : vector<1024x128xi1>, vector<1024x128xf32>
    %jit3A_144 = arith.constant 9 : i32
    %broadcast_in_dim3A_145 = vector.broadcast %jit3A_144 : i32 to vector<1024x128xi32>
    %select_n3A_146 = arith.select %lt3A_135, %broadcast_in_dim3A_145, %select_n3A_133 : vector<1024x128xi1>, vector<1024x128xi32>
    %slice3A_147 = vector.extract_strided_slice %add3A_16 {offsets = [0, 1280], sizes = [1024, 128], strides = [1, 1]} : vector<1024x4096xf32> to vector<1024x128xf32>
    %lt3A_148 = arith.cmpf olt, %slice3A_147, %select_n3A_143 : vector<1024x128xf32>
    %lt3A_149 = arith.cmpf olt, %slice3A_147, %select_n3A_138 : vector<1024x128xf32>
    %select_n3A_150 = arith.select %lt3A_149, %slice3A_147, %select_n3A_138 : vector<1024x128xi1>, vector<1024x128xf32>
    %select_n3A_151 = arith.select %lt3A_148, %select_n3A_143, %select_n3A_150 : vector<1024x128xi1>, vector<1024x128xf32>
    %jit3A_152 = arith.constant 10 : i32
    %broadcast_in_dim3A_153 = vector.broadcast %jit3A_152 : i32 to vector<1024x128xi32>
    %select_n3A_154 = arith.select %lt3A_149, %broadcast_in_dim3A_153, %select_n3A_142 : vector<1024x128xi1>, vector<1024x128xi32>
    %select_n3A_155 = arith.select %lt3A_148, %select_n3A_146, %select_n3A_154 : vector<1024x128xi1>, vector<1024x128xi32>
    %select_n3A_156 = arith.select %lt3A_148, %slice3A_147, %select_n3A_143 : vector<1024x128xi1>, vector<1024x128xf32>
    %jit3A_157 = arith.constant 10 : i32
    %broadcast_in_dim3A_158 = vector.broadcast %jit3A_157 : i32 to vector<1024x128xi32>
    %select_n3A_159 = arith.select %lt3A_148, %broadcast_in_dim3A_158, %select_n3A_146 : vector<1024x128xi1>, vector<1024x128xi32>
    %slice3A_160 = vector.extract_strided_slice %add3A_16 {offsets = [0, 1408], sizes = [1024, 128], strides = [1, 1]} : vector<1024x4096xf32> to vector<1024x128xf32>
    %lt3A_161 = arith.cmpf olt, %slice3A_160, %select_n3A_156 : vector<1024x128xf32>
    %lt3A_162 = arith.cmpf olt, %slice3A_160, %select_n3A_151 : vector<1024x128xf32>
    %select_n3A_163 = arith.select %lt3A_162, %slice3A_160, %select_n3A_151 : vector<1024x128xi1>, vector<1024x128xf32>
    %select_n3A_164 = arith.select %lt3A_161, %select_n3A_156, %select_n3A_163 : vector<1024x128xi1>, vector<1024x128xf32>
    %jit3A_165 = arith.constant 11 : i32
    %broadcast_in_dim3A_166 = vector.broadcast %jit3A_165 : i32 to vector<1024x128xi32>
    %select_n3A_167 = arith.select %lt3A_162, %broadcast_in_dim3A_166, %select_n3A_155 : vector<1024x128xi1>, vector<1024x128xi32>
    %select_n3A_168 = arith.select %lt3A_161, %select_n3A_159, %select_n3A_167 : vector<1024x128xi1>, vector<1024x128xi32>
    %select_n3A_169 = arith.select %lt3A_161, %slice3A_160, %select_n3A_156 : vector<1024x128xi1>, vector<1024x128xf32>
    %jit3A_170 = arith.constant 11 : i32
    %broadcast_in_dim3A_171 = vector.broadcast %jit3A_170 : i32 to vector<1024x128xi32>
    %select_n3A_172 = arith.select %lt3A_161, %broadcast_in_dim3A_171, %select_n3A_159 : vector<1024x128xi1>, vector<1024x128xi32>
    %slice3A_173 = vector.extract_strided_slice %add3A_16 {offsets = [0, 1536], sizes = [1024, 128], strides = [1, 1]} : vector<1024x4096xf32> to vector<1024x128xf32>
    %lt3A_174 = arith.cmpf olt, %slice3A_173, %select_n3A_169 : vector<1024x128xf32>
    %lt3A_175 = arith.cmpf olt, %slice3A_173, %select_n3A_164 : vector<1024x128xf32>
    %select_n3A_176 = arith.select %lt3A_175, %slice3A_173, %select_n3A_164 : vector<1024x128xi1>, vector<1024x128xf32>
    %select_n3A_177 = arith.select %lt3A_174, %select_n3A_169, %select_n3A_176 : vector<1024x128xi1>, vector<1024x128xf32>
    %jit3A_178 = arith.constant 12 : i32
    %broadcast_in_dim3A_179 = vector.broadcast %jit3A_178 : i32 to vector<1024x128xi32>
    %select_n3A_180 = arith.select %lt3A_175, %broadcast_in_dim3A_179, %select_n3A_168 : vector<1024x128xi1>, vector<1024x128xi32>
    %select_n3A_181 = arith.select %lt3A_174, %select_n3A_172, %select_n3A_180 : vector<1024x128xi1>, vector<1024x128xi32>
    %select_n3A_182 = arith.select %lt3A_174, %slice3A_173, %select_n3A_169 : vector<1024x128xi1>, vector<1024x128xf32>
    %jit3A_183 = arith.constant 12 : i32
    %broadcast_in_dim3A_184 = vector.broadcast %jit3A_183 : i32 to vector<1024x128xi32>
    %select_n3A_185 = arith.select %lt3A_174, %broadcast_in_dim3A_184, %select_n3A_172 : vector<1024x128xi1>, vector<1024x128xi32>
    %slice3A_186 = vector.extract_strided_slice %add3A_16 {offsets = [0, 1664], sizes = [1024, 128], strides = [1, 1]} : vector<1024x4096xf32> to vector<1024x128xf32>
    %lt3A_187 = arith.cmpf olt, %slice3A_186, %select_n3A_182 : vector<1024x128xf32>
    %lt3A_188 = arith.cmpf olt, %slice3A_186, %select_n3A_177 : vector<1024x128xf32>
    %select_n3A_189 = arith.select %lt3A_188, %slice3A_186, %select_n3A_177 : vector<1024x128xi1>, vector<1024x128xf32>
    %select_n3A_190 = arith.select %lt3A_187, %select_n3A_182, %select_n3A_189 : vector<1024x128xi1>, vector<1024x128xf32>
    %jit3A_191 = arith.constant 13 : i32
    %broadcast_in_dim3A_192 = vector.broadcast %jit3A_191 : i32 to vector<1024x128xi32>
    %select_n3A_193 = arith.select %lt3A_188, %broadcast_in_dim3A_192, %select_n3A_181 : vector<1024x128xi1>, vector<1024x128xi32>
    %select_n3A_194 = arith.select %lt3A_187, %select_n3A_185, %select_n3A_193 : vector<1024x128xi1>, vector<1024x128xi32>
    %select_n3A_195 = arith.select %lt3A_187, %slice3A_186, %select_n3A_182 : vector<1024x128xi1>, vector<1024x128xf32>
    %jit3A_196 = arith.constant 13 : i32
    %broadcast_in_dim3A_197 = vector.broadcast %jit3A_196 : i32 to vector<1024x128xi32>
    %select_n3A_198 = arith.select %lt3A_187, %broadcast_in_dim3A_197, %select_n3A_185 : vector<1024x128xi1>, vector<1024x128xi32>
    %slice3A_199 = vector.extract_strided_slice %add3A_16 {offsets = [0, 1792], sizes = [1024, 128], strides = [1, 1]} : vector<1024x4096xf32> to vector<1024x128xf32>
    %lt3A_200 = arith.cmpf olt, %slice3A_199, %select_n3A_195 : vector<1024x128xf32>
    %lt3A_201 = arith.cmpf olt, %slice3A_199, %select_n3A_190 : vector<1024x128xf32>
    %select_n3A_202 = arith.select %lt3A_201, %slice3A_199, %select_n3A_190 : vector<1024x128xi1>, vector<1024x128xf32>
    %select_n3A_203 = arith.select %lt3A_200, %select_n3A_195, %select_n3A_202 : vector<1024x128xi1>, vector<1024x128xf32>
    %jit3A_204 = arith.constant 14 : i32
    %broadcast_in_dim3A_205 = vector.broadcast %jit3A_204 : i32 to vector<1024x128xi32>
    %select_n3A_206 = arith.select %lt3A_201, %broadcast_in_dim3A_205, %select_n3A_194 : vector<1024x128xi1>, vector<1024x128xi32>
    %select_n3A_207 = arith.select %lt3A_200, %select_n3A_198, %select_n3A_206 : vector<1024x128xi1>, vector<1024x128xi32>
    %select_n3A_208 = arith.select %lt3A_200, %slice3A_199, %select_n3A_195 : vector<1024x128xi1>, vector<1024x128xf32>
    %jit3A_209 = arith.constant 14 : i32
    %broadcast_in_dim3A_210 = vector.broadcast %jit3A_209 : i32 to vector<1024x128xi32>
    %select_n3A_211 = arith.select %lt3A_200, %broadcast_in_dim3A_210, %select_n3A_198 : vector<1024x128xi1>, vector<1024x128xi32>
    %slice3A_212 = vector.extract_strided_slice %add3A_16 {offsets = [0, 1920], sizes = [1024, 128], strides = [1, 1]} : vector<1024x4096xf32> to vector<1024x128xf32>
    %lt3A_213 = arith.cmpf olt, %slice3A_212, %select_n3A_208 : vector<1024x128xf32>
    %lt3A_214 = arith.cmpf olt, %slice3A_212, %select_n3A_203 : vector<1024x128xf32>
    %select_n3A_215 = arith.select %lt3A_214, %slice3A_212, %select_n3A_203 : vector<1024x128xi1>, vector<1024x128xf32>
    %select_n3A_216 = arith.select %lt3A_213, %select_n3A_208, %select_n3A_215 : vector<1024x128xi1>, vector<1024x128xf32>
    %jit3A_217 = arith.constant 15 : i32
    %broadcast_in_dim3A_218 = vector.broadcast %jit3A_217 : i32 to vector<1024x128xi32>
    %select_n3A_219 = arith.select %lt3A_214, %broadcast_in_dim3A_218, %select_n3A_207 : vector<1024x128xi1>, vector<1024x128xi32>
    %select_n3A_220 = arith.select %lt3A_213, %select_n3A_211, %select_n3A_219 : vector<1024x128xi1>, vector<1024x128xi32>
    %select_n3A_221 = arith.select %lt3A_213, %slice3A_212, %select_n3A_208 : vector<1024x128xi1>, vector<1024x128xf32>
    %jit3A_222 = arith.constant 15 : i32
    %broadcast_in_dim3A_223 = vector.broadcast %jit3A_222 : i32 to vector<1024x128xi32>
    %select_n3A_224 = arith.select %lt3A_213, %broadcast_in_dim3A_223, %select_n3A_211 : vector<1024x128xi1>, vector<1024x128xi32>
    %slice3A_225 = vector.extract_strided_slice %add3A_16 {offsets = [0, 2048], sizes = [1024, 128], strides = [1, 1]} : vector<1024x4096xf32> to vector<1024x128xf32>
    %lt3A_226 = arith.cmpf olt, %slice3A_225, %select_n3A_221 : vector<1024x128xf32>
    %lt3A_227 = arith.cmpf olt, %slice3A_225, %select_n3A_216 : vector<1024x128xf32>
    %select_n3A_228 = arith.select %lt3A_227, %slice3A_225, %select_n3A_216 : vector<1024x128xi1>, vector<1024x128xf32>
    %select_n3A_229 = arith.select %lt3A_226, %select_n3A_221, %select_n3A_228 : vector<1024x128xi1>, vector<1024x128xf32>
    %jit3A_230 = arith.constant 16 : i32
    %broadcast_in_dim3A_231 = vector.broadcast %jit3A_230 : i32 to vector<1024x128xi32>
    %select_n3A_232 = arith.select %lt3A_227, %broadcast_in_dim3A_231, %select_n3A_220 : vector<1024x128xi1>, vector<1024x128xi32>
    %select_n3A_233 = arith.select %lt3A_226, %select_n3A_224, %select_n3A_232 : vector<1024x128xi1>, vector<1024x128xi32>
    %select_n3A_234 = arith.select %lt3A_226, %slice3A_225, %select_n3A_221 : vector<1024x128xi1>, vector<1024x128xf32>
    %jit3A_235 = arith.constant 16 : i32
    %broadcast_in_dim3A_236 = vector.broadcast %jit3A_235 : i32 to vector<1024x128xi32>
    %select_n3A_237 = arith.select %lt3A_226, %broadcast_in_dim3A_236, %select_n3A_224 : vector<1024x128xi1>, vector<1024x128xi32>
    %slice3A_238 = vector.extract_strided_slice %add3A_16 {offsets = [0, 2176], sizes = [1024, 128], strides = [1, 1]} : vector<1024x4096xf32> to vector<1024x128xf32>
    %lt3A_239 = arith.cmpf olt, %slice3A_238, %select_n3A_234 : vector<1024x128xf32>
    %lt3A_240 = arith.cmpf olt, %slice3A_238, %select_n3A_229 : vector<1024x128xf32>
    %select_n3A_241 = arith.select %lt3A_240, %slice3A_238, %select_n3A_229 : vector<1024x128xi1>, vector<1024x128xf32>
    %select_n3A_242 = arith.select %lt3A_239, %select_n3A_234, %select_n3A_241 : vector<1024x128xi1>, vector<1024x128xf32>
    %jit3A_243 = arith.constant 17 : i32
    %broadcast_in_dim3A_244 = vector.broadcast %jit3A_243 : i32 to vector<1024x128xi32>
    %select_n3A_245 = arith.select %lt3A_240, %broadcast_in_dim3A_244, %select_n3A_233 : vector<1024x128xi1>, vector<1024x128xi32>
    %select_n3A_246 = arith.select %lt3A_239, %select_n3A_237, %select_n3A_245 : vector<1024x128xi1>, vector<1024x128xi32>
    %select_n3A_247 = arith.select %lt3A_239, %slice3A_238, %select_n3A_234 : vector<1024x128xi1>, vector<1024x128xf32>
    %jit3A_248 = arith.constant 17 : i32
    %broadcast_in_dim3A_249 = vector.broadcast %jit3A_248 : i32 to vector<1024x128xi32>
    %select_n3A_250 = arith.select %lt3A_239, %broadcast_in_dim3A_249, %select_n3A_237 : vector<1024x128xi1>, vector<1024x128xi32>
    %slice3A_251 = vector.extract_strided_slice %add3A_16 {offsets = [0, 2304], sizes = [1024, 128], strides = [1, 1]} : vector<1024x4096xf32> to vector<1024x128xf32>
    %lt3A_252 = arith.cmpf olt, %slice3A_251, %select_n3A_247 : vector<1024x128xf32>
    %lt3A_253 = arith.cmpf olt, %slice3A_251, %select_n3A_242 : vector<1024x128xf32>
    %select_n3A_254 = arith.select %lt3A_253, %slice3A_251, %select_n3A_242 : vector<1024x128xi1>, vector<1024x128xf32>
    %select_n3A_255 = arith.select %lt3A_252, %select_n3A_247, %select_n3A_254 : vector<1024x128xi1>, vector<1024x128xf32>
    %jit3A_256 = arith.constant 18 : i32
    %broadcast_in_dim3A_257 = vector.broadcast %jit3A_256 : i32 to vector<1024x128xi32>
    %select_n3A_258 = arith.select %lt3A_253, %broadcast_in_dim3A_257, %select_n3A_246 : vector<1024x128xi1>, vector<1024x128xi32>
    %select_n3A_259 = arith.select %lt3A_252, %select_n3A_250, %select_n3A_258 : vector<1024x128xi1>, vector<1024x128xi32>
    %select_n3A_260 = arith.select %lt3A_252, %slice3A_251, %select_n3A_247 : vector<1024x128xi1>, vector<1024x128xf32>
    %jit3A_261 = arith.constant 18 : i32
    %broadcast_in_dim3A_262 = vector.broadcast %jit3A_261 : i32 to vector<1024x128xi32>
    %select_n3A_263 = arith.select %lt3A_252, %broadcast_in_dim3A_262, %select_n3A_250 : vector<1024x128xi1>, vector<1024x128xi32>
    %slice3A_264 = vector.extract_strided_slice %add3A_16 {offsets = [0, 2432], sizes = [1024, 128], strides = [1, 1]} : vector<1024x4096xf32> to vector<1024x128xf32>
    %lt3A_265 = arith.cmpf olt, %slice3A_264, %select_n3A_260 : vector<1024x128xf32>
    %lt3A_266 = arith.cmpf olt, %slice3A_264, %select_n3A_255 : vector<1024x128xf32>
    %select_n3A_267 = arith.select %lt3A_266, %slice3A_264, %select_n3A_255 : vector<1024x128xi1>, vector<1024x128xf32>
    %select_n3A_268 = arith.select %lt3A_265, %select_n3A_260, %select_n3A_267 : vector<1024x128xi1>, vector<1024x128xf32>
    %jit3A_269 = arith.constant 19 : i32
    %broadcast_in_dim3A_270 = vector.broadcast %jit3A_269 : i32 to vector<1024x128xi32>
    %select_n3A_271 = arith.select %lt3A_266, %broadcast_in_dim3A_270, %select_n3A_259 : vector<1024x128xi1>, vector<1024x128xi32>
    %select_n3A_272 = arith.select %lt3A_265, %select_n3A_263, %select_n3A_271 : vector<1024x128xi1>, vector<1024x128xi32>
    %select_n3A_273 = arith.select %lt3A_265, %slice3A_264, %select_n3A_260 : vector<1024x128xi1>, vector<1024x128xf32>
    %jit3A_274 = arith.constant 19 : i32
    %broadcast_in_dim3A_275 = vector.broadcast %jit3A_274 : i32 to vector<1024x128xi32>
    %select_n3A_276 = arith.select %lt3A_265, %broadcast_in_dim3A_275, %select_n3A_263 : vector<1024x128xi1>, vector<1024x128xi32>
    %slice3A_277 = vector.extract_strided_slice %add3A_16 {offsets = [0, 2560], sizes = [1024, 128], strides = [1, 1]} : vector<1024x4096xf32> to vector<1024x128xf32>
    %lt3A_278 = arith.cmpf olt, %slice3A_277, %select_n3A_273 : vector<1024x128xf32>
    %lt3A_279 = arith.cmpf olt, %slice3A_277, %select_n3A_268 : vector<1024x128xf32>
    %select_n3A_280 = arith.select %lt3A_279, %slice3A_277, %select_n3A_268 : vector<1024x128xi1>, vector<1024x128xf32>
    %select_n3A_281 = arith.select %lt3A_278, %select_n3A_273, %select_n3A_280 : vector<1024x128xi1>, vector<1024x128xf32>
    %jit3A_282 = arith.constant 20 : i32
    %broadcast_in_dim3A_283 = vector.broadcast %jit3A_282 : i32 to vector<1024x128xi32>
    %select_n3A_284 = arith.select %lt3A_279, %broadcast_in_dim3A_283, %select_n3A_272 : vector<1024x128xi1>, vector<1024x128xi32>
    %select_n3A_285 = arith.select %lt3A_278, %select_n3A_276, %select_n3A_284 : vector<1024x128xi1>, vector<1024x128xi32>
    %select_n3A_286 = arith.select %lt3A_278, %slice3A_277, %select_n3A_273 : vector<1024x128xi1>, vector<1024x128xf32>
    %jit3A_287 = arith.constant 20 : i32
    %broadcast_in_dim3A_288 = vector.broadcast %jit3A_287 : i32 to vector<1024x128xi32>
    %select_n3A_289 = arith.select %lt3A_278, %broadcast_in_dim3A_288, %select_n3A_276 : vector<1024x128xi1>, vector<1024x128xi32>
    %slice3A_290 = vector.extract_strided_slice %add3A_16 {offsets = [0, 2688], sizes = [1024, 128], strides = [1, 1]} : vector<1024x4096xf32> to vector<1024x128xf32>
    %lt3A_291 = arith.cmpf olt, %slice3A_290, %select_n3A_286 : vector<1024x128xf32>
    %lt3A_292 = arith.cmpf olt, %slice3A_290, %select_n3A_281 : vector<1024x128xf32>
    %select_n3A_293 = arith.select %lt3A_292, %slice3A_290, %select_n3A_281 : vector<1024x128xi1>, vector<1024x128xf32>
    %select_n3A_294 = arith.select %lt3A_291, %select_n3A_286, %select_n3A_293 : vector<1024x128xi1>, vector<1024x128xf32>
    %jit3A_295 = arith.constant 21 : i32
    %broadcast_in_dim3A_296 = vector.broadcast %jit3A_295 : i32 to vector<1024x128xi32>
    %select_n3A_297 = arith.select %lt3A_292, %broadcast_in_dim3A_296, %select_n3A_285 : vector<1024x128xi1>, vector<1024x128xi32>
    %select_n3A_298 = arith.select %lt3A_291, %select_n3A_289, %select_n3A_297 : vector<1024x128xi1>, vector<1024x128xi32>
    %select_n3A_299 = arith.select %lt3A_291, %slice3A_290, %select_n3A_286 : vector<1024x128xi1>, vector<1024x128xf32>
    %jit3A_300 = arith.constant 21 : i32
    %broadcast_in_dim3A_301 = vector.broadcast %jit3A_300 : i32 to vector<1024x128xi32>
    %select_n3A_302 = arith.select %lt3A_291, %broadcast_in_dim3A_301, %select_n3A_289 : vector<1024x128xi1>, vector<1024x128xi32>
    %slice3A_303 = vector.extract_strided_slice %add3A_16 {offsets = [0, 2816], sizes = [1024, 128], strides = [1, 1]} : vector<1024x4096xf32> to vector<1024x128xf32>
    %lt3A_304 = arith.cmpf olt, %slice3A_303, %select_n3A_299 : vector<1024x128xf32>
    %lt3A_305 = arith.cmpf olt, %slice3A_303, %select_n3A_294 : vector<1024x128xf32>
    %select_n3A_306 = arith.select %lt3A_305, %slice3A_303, %select_n3A_294 : vector<1024x128xi1>, vector<1024x128xf32>
    %select_n3A_307 = arith.select %lt3A_304, %select_n3A_299, %select_n3A_306 : vector<1024x128xi1>, vector<1024x128xf32>
    %jit3A_308 = arith.constant 22 : i32
    %broadcast_in_dim3A_309 = vector.broadcast %jit3A_308 : i32 to vector<1024x128xi32>
    %select_n3A_310 = arith.select %lt3A_305, %broadcast_in_dim3A_309, %select_n3A_298 : vector<1024x128xi1>, vector<1024x128xi32>
    %select_n3A_311 = arith.select %lt3A_304, %select_n3A_302, %select_n3A_310 : vector<1024x128xi1>, vector<1024x128xi32>
    %select_n3A_312 = arith.select %lt3A_304, %slice3A_303, %select_n3A_299 : vector<1024x128xi1>, vector<1024x128xf32>
    %jit3A_313 = arith.constant 22 : i32
    %broadcast_in_dim3A_314 = vector.broadcast %jit3A_313 : i32 to vector<1024x128xi32>
    %select_n3A_315 = arith.select %lt3A_304, %broadcast_in_dim3A_314, %select_n3A_302 : vector<1024x128xi1>, vector<1024x128xi32>
    %slice3A_316 = vector.extract_strided_slice %add3A_16 {offsets = [0, 2944], sizes = [1024, 128], strides = [1, 1]} : vector<1024x4096xf32> to vector<1024x128xf32>
    %lt3A_317 = arith.cmpf olt, %slice3A_316, %select_n3A_312 : vector<1024x128xf32>
    %lt3A_318 = arith.cmpf olt, %slice3A_316, %select_n3A_307 : vector<1024x128xf32>
    %select_n3A_319 = arith.select %lt3A_318, %slice3A_316, %select_n3A_307 : vector<1024x128xi1>, vector<1024x128xf32>
    %select_n3A_320 = arith.select %lt3A_317, %select_n3A_312, %select_n3A_319 : vector<1024x128xi1>, vector<1024x128xf32>
    %jit3A_321 = arith.constant 23 : i32
    %broadcast_in_dim3A_322 = vector.broadcast %jit3A_321 : i32 to vector<1024x128xi32>
    %select_n3A_323 = arith.select %lt3A_318, %broadcast_in_dim3A_322, %select_n3A_311 : vector<1024x128xi1>, vector<1024x128xi32>
    %select_n3A_324 = arith.select %lt3A_317, %select_n3A_315, %select_n3A_323 : vector<1024x128xi1>, vector<1024x128xi32>
    %select_n3A_325 = arith.select %lt3A_317, %slice3A_316, %select_n3A_312 : vector<1024x128xi1>, vector<1024x128xf32>
    %jit3A_326 = arith.constant 23 : i32
    %broadcast_in_dim3A_327 = vector.broadcast %jit3A_326 : i32 to vector<1024x128xi32>
    %select_n3A_328 = arith.select %lt3A_317, %broadcast_in_dim3A_327, %select_n3A_315 : vector<1024x128xi1>, vector<1024x128xi32>
    %slice3A_329 = vector.extract_strided_slice %add3A_16 {offsets = [0, 3072], sizes = [1024, 128], strides = [1, 1]} : vector<1024x4096xf32> to vector<1024x128xf32>
    %lt3A_330 = arith.cmpf olt, %slice3A_329, %select_n3A_325 : vector<1024x128xf32>
    %lt3A_331 = arith.cmpf olt, %slice3A_329, %select_n3A_320 : vector<1024x128xf32>
    %select_n3A_332 = arith.select %lt3A_331, %slice3A_329, %select_n3A_320 : vector<1024x128xi1>, vector<1024x128xf32>
    %select_n3A_333 = arith.select %lt3A_330, %select_n3A_325, %select_n3A_332 : vector<1024x128xi1>, vector<1024x128xf32>
    %jit3A_334 = arith.constant 24 : i32
    %broadcast_in_dim3A_335 = vector.broadcast %jit3A_334 : i32 to vector<1024x128xi32>
    %select_n3A_336 = arith.select %lt3A_331, %broadcast_in_dim3A_335, %select_n3A_324 : vector<1024x128xi1>, vector<1024x128xi32>
    %select_n3A_337 = arith.select %lt3A_330, %select_n3A_328, %select_n3A_336 : vector<1024x128xi1>, vector<1024x128xi32>
    %select_n3A_338 = arith.select %lt3A_330, %slice3A_329, %select_n3A_325 : vector<1024x128xi1>, vector<1024x128xf32>
    %jit3A_339 = arith.constant 24 : i32
    %broadcast_in_dim3A_340 = vector.broadcast %jit3A_339 : i32 to vector<1024x128xi32>
    %select_n3A_341 = arith.select %lt3A_330, %broadcast_in_dim3A_340, %select_n3A_328 : vector<1024x128xi1>, vector<1024x128xi32>
    %slice3A_342 = vector.extract_strided_slice %add3A_16 {offsets = [0, 3200], sizes = [1024, 128], strides = [1, 1]} : vector<1024x4096xf32> to vector<1024x128xf32>
    %lt3A_343 = arith.cmpf olt, %slice3A_342, %select_n3A_338 : vector<1024x128xf32>
    %lt3A_344 = arith.cmpf olt, %slice3A_342, %select_n3A_333 : vector<1024x128xf32>
    %select_n3A_345 = arith.select %lt3A_344, %slice3A_342, %select_n3A_333 : vector<1024x128xi1>, vector<1024x128xf32>
    %select_n3A_346 = arith.select %lt3A_343, %select_n3A_338, %select_n3A_345 : vector<1024x128xi1>, vector<1024x128xf32>
    %jit3A_347 = arith.constant 25 : i32
    %broadcast_in_dim3A_348 = vector.broadcast %jit3A_347 : i32 to vector<1024x128xi32>
    %select_n3A_349 = arith.select %lt3A_344, %broadcast_in_dim3A_348, %select_n3A_337 : vector<1024x128xi1>, vector<1024x128xi32>
    %select_n3A_350 = arith.select %lt3A_343, %select_n3A_341, %select_n3A_349 : vector<1024x128xi1>, vector<1024x128xi32>
    %select_n3A_351 = arith.select %lt3A_343, %slice3A_342, %select_n3A_338 : vector<1024x128xi1>, vector<1024x128xf32>
    %jit3A_352 = arith.constant 25 : i32
    %broadcast_in_dim3A_353 = vector.broadcast %jit3A_352 : i32 to vector<1024x128xi32>
    %select_n3A_354 = arith.select %lt3A_343, %broadcast_in_dim3A_353, %select_n3A_341 : vector<1024x128xi1>, vector<1024x128xi32>
    %slice3A_355 = vector.extract_strided_slice %add3A_16 {offsets = [0, 3328], sizes = [1024, 128], strides = [1, 1]} : vector<1024x4096xf32> to vector<1024x128xf32>
    %lt3A_356 = arith.cmpf olt, %slice3A_355, %select_n3A_351 : vector<1024x128xf32>
    %lt3A_357 = arith.cmpf olt, %slice3A_355, %select_n3A_346 : vector<1024x128xf32>
    %select_n3A_358 = arith.select %lt3A_357, %slice3A_355, %select_n3A_346 : vector<1024x128xi1>, vector<1024x128xf32>
    %select_n3A_359 = arith.select %lt3A_356, %select_n3A_351, %select_n3A_358 : vector<1024x128xi1>, vector<1024x128xf32>
    %jit3A_360 = arith.constant 26 : i32
    %broadcast_in_dim3A_361 = vector.broadcast %jit3A_360 : i32 to vector<1024x128xi32>
    %select_n3A_362 = arith.select %lt3A_357, %broadcast_in_dim3A_361, %select_n3A_350 : vector<1024x128xi1>, vector<1024x128xi32>
    %select_n3A_363 = arith.select %lt3A_356, %select_n3A_354, %select_n3A_362 : vector<1024x128xi1>, vector<1024x128xi32>
    %select_n3A_364 = arith.select %lt3A_356, %slice3A_355, %select_n3A_351 : vector<1024x128xi1>, vector<1024x128xf32>
    %jit3A_365 = arith.constant 26 : i32
    %broadcast_in_dim3A_366 = vector.broadcast %jit3A_365 : i32 to vector<1024x128xi32>
    %select_n3A_367 = arith.select %lt3A_356, %broadcast_in_dim3A_366, %select_n3A_354 : vector<1024x128xi1>, vector<1024x128xi32>
    %slice3A_368 = vector.extract_strided_slice %add3A_16 {offsets = [0, 3456], sizes = [1024, 128], strides = [1, 1]} : vector<1024x4096xf32> to vector<1024x128xf32>
    %lt3A_369 = arith.cmpf olt, %slice3A_368, %select_n3A_364 : vector<1024x128xf32>
    %lt3A_370 = arith.cmpf olt, %slice3A_368, %select_n3A_359 : vector<1024x128xf32>
    %select_n3A_371 = arith.select %lt3A_370, %slice3A_368, %select_n3A_359 : vector<1024x128xi1>, vector<1024x128xf32>
    %select_n3A_372 = arith.select %lt3A_369, %select_n3A_364, %select_n3A_371 : vector<1024x128xi1>, vector<1024x128xf32>
    %jit3A_373 = arith.constant 27 : i32
    %broadcast_in_dim3A_374 = vector.broadcast %jit3A_373 : i32 to vector<1024x128xi32>
    %select_n3A_375 = arith.select %lt3A_370, %broadcast_in_dim3A_374, %select_n3A_363 : vector<1024x128xi1>, vector<1024x128xi32>
    %select_n3A_376 = arith.select %lt3A_369, %select_n3A_367, %select_n3A_375 : vector<1024x128xi1>, vector<1024x128xi32>
    %select_n3A_377 = arith.select %lt3A_369, %slice3A_368, %select_n3A_364 : vector<1024x128xi1>, vector<1024x128xf32>
    %jit3A_378 = arith.constant 27 : i32
    %broadcast_in_dim3A_379 = vector.broadcast %jit3A_378 : i32 to vector<1024x128xi32>
    %select_n3A_380 = arith.select %lt3A_369, %broadcast_in_dim3A_379, %select_n3A_367 : vector<1024x128xi1>, vector<1024x128xi32>
    %slice3A_381 = vector.extract_strided_slice %add3A_16 {offsets = [0, 3584], sizes = [1024, 128], strides = [1, 1]} : vector<1024x4096xf32> to vector<1024x128xf32>
    %lt3A_382 = arith.cmpf olt, %slice3A_381, %select_n3A_377 : vector<1024x128xf32>
    %lt3A_383 = arith.cmpf olt, %slice3A_381, %select_n3A_372 : vector<1024x128xf32>
    %select_n3A_384 = arith.select %lt3A_383, %slice3A_381, %select_n3A_372 : vector<1024x128xi1>, vector<1024x128xf32>
    %select_n3A_385 = arith.select %lt3A_382, %select_n3A_377, %select_n3A_384 : vector<1024x128xi1>, vector<1024x128xf32>
    %jit3A_386 = arith.constant 28 : i32
    %broadcast_in_dim3A_387 = vector.broadcast %jit3A_386 : i32 to vector<1024x128xi32>
    %select_n3A_388 = arith.select %lt3A_383, %broadcast_in_dim3A_387, %select_n3A_376 : vector<1024x128xi1>, vector<1024x128xi32>
    %select_n3A_389 = arith.select %lt3A_382, %select_n3A_380, %select_n3A_388 : vector<1024x128xi1>, vector<1024x128xi32>
    %select_n3A_390 = arith.select %lt3A_382, %slice3A_381, %select_n3A_377 : vector<1024x128xi1>, vector<1024x128xf32>
    %jit3A_391 = arith.constant 28 : i32
    %broadcast_in_dim3A_392 = vector.broadcast %jit3A_391 : i32 to vector<1024x128xi32>
    %select_n3A_393 = arith.select %lt3A_382, %broadcast_in_dim3A_392, %select_n3A_380 : vector<1024x128xi1>, vector<1024x128xi32>
    %slice3A_394 = vector.extract_strided_slice %add3A_16 {offsets = [0, 3712], sizes = [1024, 128], strides = [1, 1]} : vector<1024x4096xf32> to vector<1024x128xf32>
    %lt3A_395 = arith.cmpf olt, %slice3A_394, %select_n3A_390 : vector<1024x128xf32>
    %lt3A_396 = arith.cmpf olt, %slice3A_394, %select_n3A_385 : vector<1024x128xf32>
    %select_n3A_397 = arith.select %lt3A_396, %slice3A_394, %select_n3A_385 : vector<1024x128xi1>, vector<1024x128xf32>
    %select_n3A_398 = arith.select %lt3A_395, %select_n3A_390, %select_n3A_397 : vector<1024x128xi1>, vector<1024x128xf32>
    %jit3A_399 = arith.constant 29 : i32
    %broadcast_in_dim3A_400 = vector.broadcast %jit3A_399 : i32 to vector<1024x128xi32>
    %select_n3A_401 = arith.select %lt3A_396, %broadcast_in_dim3A_400, %select_n3A_389 : vector<1024x128xi1>, vector<1024x128xi32>
    %select_n3A_402 = arith.select %lt3A_395, %select_n3A_393, %select_n3A_401 : vector<1024x128xi1>, vector<1024x128xi32>
    %select_n3A_403 = arith.select %lt3A_395, %slice3A_394, %select_n3A_390 : vector<1024x128xi1>, vector<1024x128xf32>
    %jit3A_404 = arith.constant 29 : i32
    %broadcast_in_dim3A_405 = vector.broadcast %jit3A_404 : i32 to vector<1024x128xi32>
    %select_n3A_406 = arith.select %lt3A_395, %broadcast_in_dim3A_405, %select_n3A_393 : vector<1024x128xi1>, vector<1024x128xi32>
    %slice3A_407 = vector.extract_strided_slice %add3A_16 {offsets = [0, 3840], sizes = [1024, 128], strides = [1, 1]} : vector<1024x4096xf32> to vector<1024x128xf32>
    %lt3A_408 = arith.cmpf olt, %slice3A_407, %select_n3A_403 : vector<1024x128xf32>
    %lt3A_409 = arith.cmpf olt, %slice3A_407, %select_n3A_398 : vector<1024x128xf32>
    %select_n3A_410 = arith.select %lt3A_409, %slice3A_407, %select_n3A_398 : vector<1024x128xi1>, vector<1024x128xf32>
    %select_n3A_411 = arith.select %lt3A_408, %select_n3A_403, %select_n3A_410 : vector<1024x128xi1>, vector<1024x128xf32>
    %jit3A_412 = arith.constant 30 : i32
    %broadcast_in_dim3A_413 = vector.broadcast %jit3A_412 : i32 to vector<1024x128xi32>
    %select_n3A_414 = arith.select %lt3A_409, %broadcast_in_dim3A_413, %select_n3A_402 : vector<1024x128xi1>, vector<1024x128xi32>
    %select_n3A_415 = arith.select %lt3A_408, %select_n3A_406, %select_n3A_414 : vector<1024x128xi1>, vector<1024x128xi32>
    %select_n3A_416 = arith.select %lt3A_408, %slice3A_407, %select_n3A_403 : vector<1024x128xi1>, vector<1024x128xf32>
    %jit3A_417 = arith.constant 30 : i32
    %broadcast_in_dim3A_418 = vector.broadcast %jit3A_417 : i32 to vector<1024x128xi32>
    %select_n3A_419 = arith.select %lt3A_408, %broadcast_in_dim3A_418, %select_n3A_406 : vector<1024x128xi1>, vector<1024x128xi32>
    %slice3A_420 = vector.extract_strided_slice %add3A_16 {offsets = [0, 3968], sizes = [1024, 128], strides = [1, 1]} : vector<1024x4096xf32> to vector<1024x128xf32>
    %lt3A_421 = arith.cmpf olt, %slice3A_420, %select_n3A_416 : vector<1024x128xf32>
    %lt3A_422 = arith.cmpf olt, %slice3A_420, %select_n3A_411 : vector<1024x128xf32>
    %select_n3A_423 = arith.select %lt3A_422, %slice3A_420, %select_n3A_411 : vector<1024x128xi1>, vector<1024x128xf32>
    %select_n3A_424 = arith.select %lt3A_421, %select_n3A_416, %select_n3A_423 : vector<1024x128xi1>, vector<1024x128xf32>
    %jit3A_425 = arith.constant 31 : i32
    %broadcast_in_dim3A_426 = vector.broadcast %jit3A_425 : i32 to vector<1024x128xi32>
    %select_n3A_427 = arith.select %lt3A_422, %broadcast_in_dim3A_426, %select_n3A_415 : vector<1024x128xi1>, vector<1024x128xi32>
    %select_n3A_428 = arith.select %lt3A_421, %select_n3A_419, %select_n3A_427 : vector<1024x128xi1>, vector<1024x128xi32>
    %select_n3A_429 = arith.select %lt3A_421, %slice3A_420, %select_n3A_416 : vector<1024x128xi1>, vector<1024x128xf32>
    %jit3A_430 = arith.constant 31 : i32
    %broadcast_in_dim3A_431 = vector.broadcast %jit3A_430 : i32 to vector<1024x128xi32>
    %select_n3A_432 = arith.select %lt3A_421, %broadcast_in_dim3A_431, %select_n3A_419 : vector<1024x128xi1>, vector<1024x128xi32>
    %broadcast_in_dim3A_433 = vector.shape_cast %select_n3A_429 : vector<1024x128xf32> to vector<1x1024x128xf32>
    %swap3A = arith.constant 0 : index
    %swap3A_434 = arith.constant 0 : index
    %swap3A_435 = arith.constant 0 : index
    %swap3A_436 = vector.load %arg3[%swap3A, %swap3A_434, %swap3A_435] : memref<1x1024x128xf32, #tpu.memory_space<vmem>>, vector<1x1024x128xf32>
    tpu.vector_store %arg3[%swap3A, %swap3A_434, %swap3A_435], %broadcast_in_dim3A_433 {strides = array<i32>} : memref<1x1024x128xf32, #tpu.memory_space<vmem>>, vector<1x1024x128xf32>,
    %broadcast_in_dim3A_437 = vector.shape_cast %select_n3A_424 : vector<1024x128xf32> to vector<1x1024x128xf32>
    %swap3A_438 = arith.constant 0 : index
    %swap3A_439 = arith.constant 0 : index
    %swap3A_440 = arith.constant 0 : index
    %swap3A_441 = vector.load %arg4[%swap3A_438, %swap3A_439, %swap3A_440] : memref<1x1024x128xf32, #tpu.memory_space<vmem>>, vector<1x1024x128xf32>
    tpu.vector_store %arg4[%swap3A_438, %swap3A_439, %swap3A_440], %broadcast_in_dim3A_437 {strides = array<i32>} : memref<1x1024x128xf32, #tpu.memory_space<vmem>>, vector<1x1024x128xf32>,
    %broadcast_in_dim3A_442 = vector.shape_cast %select_n3A_432 : vector<1024x128xi32> to vector<1x1024x128xi32>
    %swap3A_443 = arith.constant 0 : index
    %swap3A_444 = arith.constant 0 : index
    %swap3A_445 = arith.constant 0 : index
    %swap3A_446 = vector.load %arg5[%swap3A_443, %swap3A_444, %swap3A_445] : memref<1x1024x128xi32, #tpu.memory_space<vmem>>, vector<1x1024x128xi32>
    tpu.vector_store %arg5[%swap3A_443, %swap3A_444, %swap3A_445], %broadcast_in_dim3A_442 {strides = array<i32>} : memref<1x1024x128xi32, #tpu.memory_space<vmem>>, vector<1x1024x128xi32>,
    %broadcast_in_dim3A_447 = vector.shape_cast %select_n3A_428 : vector<1024x128xi32> to vector<1x1024x128xi32>
    %swap3A_448 = arith.constant 0 : index
    %swap3A_449 = arith.constant 0 : index
    %swap3A_450 = arith.constant 0 : index
    %swap3A_451 = vector.load %arg6[%swap3A_448, %swap3A_449, %swap3A_450] : memref<1x1024x128xi32, #tpu.memory_space<vmem>>, vector<1x1024x128xi32>
    tpu.vector_store %arg6[%swap3A_448, %swap3A_449, %swap3A_450], %broadcast_in_dim3A_447 {strides = array<i32>} : memref<1x1024x128xi32, #tpu.memory_space<vmem>>, vector<1x1024x128xi32>,
    return
  }
  func.func @transform_0(%arg0: i32) -> (i32, i32) {
    %c0_i32 = arith.constant 0 : i32
    %c0_i32_0 = arith.constant 0 : i32
    return %c0_i32, %arg0 : i32, i32
  }
  func.func @transform_1(%arg0: i32) -> (i32, i32) {
    %c0_i32 = arith.constant 0 : i32
    %c0_i32_0 = arith.constant 0 : i32
    %c0_i32_1 = arith.constant 0 : i32
    return %c0_i32, %c0_i32_0 : i32, i32
  }
  func.func @transform_2(%arg0: i32) -> (i32, i32, i32) {
    %c0_i32 = arith.constant 0 : i32
    %c0_i32_0 = arith.constant 0 : i32
    %c0_i32_1 = arith.constant 0 : i32
    return %arg0, %c0_i32, %c0_i32_0 : i32, i32, i32
  }
  func.func @transform_3(%arg0: i32) -> (i32, i32, i32) {
    %c0_i32 = arith.constant 0 : i32
    %c0_i32_0 = arith.constant 0 : i32
    %c0_i32_1 = arith.constant 0 : i32
    return %arg0, %c0_i32, %c0_i32_0 : i32, i32, i32
  }
  func.func @transform_4(%arg0: i32) -> (i32, i32, i32) {
    %c0_i32 = arith.constant 0 : i32
    %c0_i32_0 = arith.constant 0 : i32
    %c0_i32_1 = arith.constant 0 : i32
    return %arg0, %c0_i32, %c0_i32_0 : i32, i32, i32
  }
  func.func @transform_5(%arg0: i32) -> (i32, i32, i32) {
    %c0_i32 = arith.constant 0 : i32
    %c0_i32_0 = arith.constant 0 : i32
    %c0_i32_1 = arith.constant 0 : i32
    return %arg0, %c0_i32, %c0_i32_0 : i32, i32, i32
  }
}

module attributes {stable_mosaic.version = 14 : i64} {
  func.func @_stage2_body(%arg0: i32, %arg1: memref<25x128x128xf32, #tpu.memory_space<vmem>>, %arg2: memref<25x128x128xf32, #tpu.memory_space<vmem>>, %arg3: memref<25x128x128xi32, #tpu.memory_space<vmem>>, %arg4: memref<25x128x128xi32, #tpu.memory_space<vmem>>, %arg5: memref<128x8xi32, #tpu.memory_space<vmem>>) attributes {dimension_semantics = [#tpu.dimension_semantics<arbitrary>], iteration_bounds = array<i64: 8>, scalar_prefetch = 0 : i64, scratch_operands = 0 : i64, tpu.core_type = #tpu.core_type<tc>, window_params = [{transform_indices = @transform_0, window_bounds = array<i64: 25, 128, 128>}, {transform_indices = @transform_1, window_bounds = array<i64: 25, 128, 128>}, {transform_indices = @transform_2, window_bounds = array<i64: 25, 128, 128>}, {transform_indices = @transform_3, window_bounds = array<i64: 25, 128, 128>}, {transform_indices = @transform_4, window_bounds = array<i64: 128, 8>}]} {
    %get3A = arith.constant 0 : index
    %get3A_0 = arith.constant 0 : index
    %get3A_1 = arith.constant 0 : index
    %get3A_2 = vector.load %arg1[%get3A, %get3A_0, %get3A_1] : memref<25x128x128xf32, #tpu.memory_space<vmem>>, vector<25x128x128xf32>
    %get3A_3 = arith.constant 0 : index
    %get3A_4 = arith.constant 0 : index
    %get3A_5 = arith.constant 0 : index
    %get3A_6 = vector.load %arg2[%get3A_3, %get3A_4, %get3A_5] : memref<25x128x128xf32, #tpu.memory_space<vmem>>, vector<25x128x128xf32>
    %iota3A = tpu.iota {dimensions = array<i32: 0>} : vector<25x128x128xi32>
    %mul3A = arith.constant 32 : i32
    %mul3A_7 = vector.broadcast %mul3A : i32 to vector<25x128x128xi32>
    %mul3A_8 = arith.muli %iota3A, %mul3A_7 : vector<25x128x128xi32>
    %get3A_9 = arith.constant 0 : index
    %get3A_10 = arith.constant 0 : index
    %get3A_11 = arith.constant 0 : index
    %get3A_12 = vector.load %arg3[%get3A_9, %get3A_10, %get3A_11] : memref<25x128x128xi32, #tpu.memory_space<vmem>>, vector<25x128x128xi32>
    %add3A = arith.addi %mul3A_8, %get3A_12 : vector<25x128x128xi32>
    %get3A_13 = arith.constant 0 : index
    %get3A_14 = arith.constant 0 : index
    %get3A_15 = arith.constant 0 : index
    %get3A_16 = vector.load %arg4[%get3A_13, %get3A_14, %get3A_15] : memref<25x128x128xi32, #tpu.memory_space<vmem>>, vector<25x128x128xi32>
    %add3A_17 = arith.addi %mul3A_8, %get3A_16 : vector<25x128x128xi32>
    %iota3A_18 = tpu.iota {dimensions = array<i32: 1>} : vector<128x128xi32>
    %iota3A_19 = tpu.iota {dimensions = array<i32: 1>} : vector<128x8xi32>
    %broadcast_in_dim3A = arith.constant 0 : i32
    %broadcast_in_dim3A_20 = vector.broadcast %broadcast_in_dim3A : i32 to vector<128x8xi32>
    %reduce_min3A = arith.constant dense<0x7F800000> : vector<128x128xf32>
    %reduce_min3A_21 = vector.multi_reduction <minimumf>, %get3A_2, %reduce_min3A [0] : vector<25x128x128xf32> to vector<128x128xf32>
    %reduce_min3A_22 = arith.constant dense<0x7F800000> : vector<128x128xf32>
    %reduce_min3A_23 = vector.multi_reduction <minimumf>, %get3A_6, %reduce_min3A_22 [0] : vector<25x128x128xf32> to vector<128x128xf32>
    %min3A = arith.minimumf %reduce_min3A_21, %reduce_min3A_23 : vector<128x128xf32>
    %reduce_min3A_24 = arith.constant dense<0x7F800000> : vector<128xf32>
    %reduce_min3A_25 = vector.multi_reduction <minimumf>, %min3A, %reduce_min3A_24 [1] : vector<128x128xf32> to vector<128xf32>
    %broadcast_in_dim3A_26 = vector.shape_cast %reduce_min3A_25 : vector<128xf32> to vector<128x1xf32>
    %broadcast_in_dim3A_27 = vector.shape_cast %broadcast_in_dim3A_26 : vector<128x1xf32> to vector<1x128x1xf32>
    %eq3A = vector.broadcast %broadcast_in_dim3A_27 : vector<1x128x1xf32> to vector<25x128x128xf32>
    %eq3A_28 = arith.cmpf oeq, %get3A_2, %eq3A : vector<25x128x128xf32>
    %jit3A = arith.constant 8388608 : i32
    %broadcast_in_dim3A_29 = vector.broadcast %jit3A : i32 to vector<25x128x128xi32>
    %select_n3A = arith.select %eq3A_28, %add3A, %broadcast_in_dim3A_29 : vector<25x128x128xi1>, vector<25x128x128xi32>
    %reduce_min3A_30 = arith.constant dense<2147483647> : vector<128x128xi32>
    %reduce_min3A_31 = vector.multi_reduction <minsi>, %select_n3A, %reduce_min3A_30 [0] : vector<25x128x128xi32> to vector<128x128xi32>
    %eq3A_32 = vector.broadcast %broadcast_in_dim3A_27 : vector<1x128x1xf32> to vector<25x128x128xf32>
    %eq3A_33 = arith.cmpf oeq, %get3A_6, %eq3A_32 : vector<25x128x128xf32>
    %jit3A_34 = arith.constant 8388608 : i32
    %broadcast_in_dim3A_35 = vector.broadcast %jit3A_34 : i32 to vector<25x128x128xi32>
    %select_n3A_36 = arith.select %eq3A_33, %add3A_17, %broadcast_in_dim3A_35 : vector<25x128x128xi1>, vector<25x128x128xi32>
    %reduce_min3A_37 = arith.constant dense<2147483647> : vector<128x128xi32>
    %reduce_min3A_38 = vector.multi_reduction <minsi>, %select_n3A_36, %reduce_min3A_37 [0] : vector<25x128x128xi32> to vector<128x128xi32>
    %min3A_39 = arith.minsi %reduce_min3A_31, %reduce_min3A_38 : vector<128x128xi32>
    %mul3A_40 = arith.constant 128 : i32
    %mul3A_41 = vector.broadcast %mul3A_40 : i32 to vector<128x128xi32>
    %mul3A_42 = arith.muli %min3A_39, %mul3A_41 : vector<128x128xi32>
    %add3A_43 = arith.addi %mul3A_42, %iota3A_18 : vector<128x128xi32>
    %reduce_min3A_44 = arith.constant dense<2147483647> : vector<128xi32>
    %reduce_min3A_45 = vector.multi_reduction <minsi>, %add3A_43, %reduce_min3A_44 [1] : vector<128x128xi32> to vector<128xi32>
    %broadcast_in_dim3A_46 = vector.shape_cast %reduce_min3A_45 : vector<128xi32> to vector<128x1xi32>
    %eq3A_47 = arith.constant 0 : i32
    %eq3A_48 = vector.broadcast %eq3A_47 : i32 to vector<128x8xi32>
    %eq3A_49 = arith.cmpi eq, %iota3A_19, %eq3A_48 : vector<128x8xi32>
    %broadcast_in_dim3A_50 = vector.shape_cast %broadcast_in_dim3A_46 : vector<128x1xi32> to vector<128x1xi32>
    %broadcast_in_dim3A_51 = vector.broadcast %broadcast_in_dim3A_50 : vector<128x1xi32> to vector<128x8xi32>
    %select_n3A_52 = arith.select %eq3A_49, %broadcast_in_dim3A_51, %broadcast_in_dim3A_20 : vector<128x8xi1>, vector<128x8xi32>
    %jit3A_53 = arith.constant 128 : i32
    %eq3A_54 = arith.constant 0 : i32
    %eq3A_55 = arith.cmpi eq, %jit3A_53, %eq3A_54 : i32
    %jit3A_56 = arith.constant 1 : i32
    %select_n3A_57 = arith.select %eq3A_55, %jit3A_56, %jit3A_53 : i32
    %rem3A = vector.broadcast %select_n3A_57 : i32 to vector<128x1xi32>
    %rem3A_58 = arith.remsi %broadcast_in_dim3A_46, %rem3A : vector<128x1xi32>
    %ne3A = arith.constant 0 : i32
    %ne3A_59 = vector.broadcast %ne3A : i32 to vector<128x1xi32>
    %ne3A_60 = arith.cmpi ne, %rem3A_58, %ne3A_59 : vector<128x1xi32>
    %lt3A = arith.constant 0 : i32
    %lt3A_61 = vector.broadcast %lt3A : i32 to vector<128x1xi32>
    %lt3A_62 = arith.cmpi slt, %rem3A_58, %lt3A_61 : vector<128x1xi32>
    %lt3A_63 = arith.constant 0 : i32
    %lt3A_64 = arith.cmpi slt, %select_n3A_57, %lt3A_63 : i32
    %ne3A_65 = vector.broadcast %lt3A_64 : i1 to vector<128x1xi1>
    %ne3A_66 = vector.broadcast %ne3A_65 : vector<128x1xi1> to vector<128x1xi1>
    %ne3A_67 = arith.xori %lt3A_62, %ne3A_66 : vector<128x1xi1>
    %and3A = arith.andi %ne3A_67, %ne3A_60 : vector<128x1xi1>
    %add3A_68 = vector.broadcast %select_n3A_57 : i32 to vector<128x1xi32>
    %add3A_69 = arith.addi %rem3A_58, %add3A_68 : vector<128x1xi32>
    %select_n3A_70 = arith.select %and3A, %add3A_69, %rem3A_58 : vector<128x1xi1>, vector<128x1xi32>
    %jit3A_71 = arith.constant 128 : i32
    %div3A = vector.broadcast %jit3A_71 : i32 to vector<128x1xi32>
    %div3A_72 = arith.divsi %broadcast_in_dim3A_46, %div3A : vector<128x1xi32>
    %sign3A = arith.constant 0 : i32
    %sign3A_73 = vector.broadcast %sign3A : i32 to vector<128x1xi32>
    %sign3A_74 = arith.cmpi sgt, %broadcast_in_dim3A_46, %sign3A_73 : vector<128x1xi32>
    %sign3A_75 = arith.extui %sign3A_74 : vector<128x1xi1> to vector<128x1xi32>
    %sign3A_76 = arith.constant 0 : i32
    %sign3A_77 = vector.broadcast %sign3A_76 : i32 to vector<128x1xi32>
    %sign3A_78 = arith.cmpi slt, %broadcast_in_dim3A_46, %sign3A_77 : vector<128x1xi32>
    %sign3A_79 = arith.extui %sign3A_78 : vector<128x1xi1> to vector<128x1xi32>
    %sign3A_80 = arith.subi %sign3A_75, %sign3A_79 : vector<128x1xi32>
    %sign3A_81 = arith.constant 0 : i32
    %sign3A_82 = arith.cmpi sgt, %jit3A_71, %sign3A_81 : i32
    %sign3A_83 = arith.extui %sign3A_82 : i1 to i32
    %sign3A_84 = arith.constant 0 : i32
    %sign3A_85 = arith.cmpi slt, %jit3A_71, %sign3A_84 : i32
    %sign3A_86 = arith.extui %sign3A_85 : i1 to i32
    %sign3A_87 = arith.subi %sign3A_83, %sign3A_86 : i32
    %ne3A_88 = vector.broadcast %sign3A_87 : i32 to vector<128x1xi32>
    %ne3A_89 = arith.cmpi ne, %sign3A_80, %ne3A_88 : vector<128x1xi32>
    %rem3A_90 = vector.broadcast %jit3A_71 : i32 to vector<128x1xi32>
    %rem3A_91 = arith.remsi %broadcast_in_dim3A_46, %rem3A_90 : vector<128x1xi32>
    %ne3A_92 = arith.constant 0 : i32
    %ne3A_93 = vector.broadcast %ne3A_92 : i32 to vector<128x1xi32>
    %ne3A_94 = arith.cmpi ne, %rem3A_91, %ne3A_93 : vector<128x1xi32>
    %and3A_95 = arith.andi %ne3A_89, %ne3A_94 : vector<128x1xi1>
    %sub3A = arith.constant 1 : i32
    %sub3A_96 = vector.broadcast %sub3A : i32 to vector<128x1xi32>
    %sub3A_97 = arith.subi %div3A_72, %sub3A_96 : vector<128x1xi32>
    %select_n3A_98 = arith.select %and3A_95, %sub3A_97, %div3A_72 : vector<128x1xi1>, vector<128x1xi32>
    %eq3A_99 = vector.broadcast %select_n3A_70 : vector<128x1xi32> to vector<128x128xi32>
    %eq3A_100 = arith.cmpi eq, %iota3A_18, %eq3A_99 : vector<128x128xi32>
    %jit3A_101 = arith.constant 8388608 : i32
    %broadcast_in_dim3A_102 = vector.shape_cast %select_n3A_98 : vector<128x1xi32> to vector<128x1xi32>
    %broadcast_in_dim3A_103 = vector.broadcast %broadcast_in_dim3A_102 : vector<128x1xi32> to vector<128x128xi32>
    %broadcast_in_dim3A_104 = vector.broadcast %jit3A_101 : i32 to vector<128x128xi32>
    %select_n3A_105 = arith.select %eq3A_100, %broadcast_in_dim3A_103, %broadcast_in_dim3A_104 : vector<128x128xi1>, vector<128x128xi32>
    %broadcast_in_dim3A_106 = vector.shape_cast %select_n3A_105 : vector<128x128xi32> to vector<1x128x128xi32>
    %eq3A_107 = vector.broadcast %broadcast_in_dim3A_27 : vector<1x128x1xf32> to vector<25x128x128xf32>
    %eq3A_108 = arith.cmpf oeq, %get3A_2, %eq3A_107 : vector<25x128x128xf32>
    %eq3A_109 = vector.broadcast %broadcast_in_dim3A_106 : vector<1x128x128xi32> to vector<25x128x128xi32>
    %eq3A_110 = arith.cmpi eq, %add3A, %eq3A_109 : vector<25x128x128xi32>
    %and3A_111 = arith.andi %eq3A_108, %eq3A_110 : vector<25x128x128xi1>
    %jit3A_112 = arith.constant 0x7F800000 : f32
    %broadcast_in_dim3A_113 = vector.broadcast %jit3A_112 : f32 to vector<25x128x128xf32>
    %select_n3A_114 = arith.select %and3A_111, %broadcast_in_dim3A_113, %get3A_2 : vector<25x128x128xi1>, vector<25x128x128xf32>
    %eq3A_115 = vector.broadcast %broadcast_in_dim3A_27 : vector<1x128x1xf32> to vector<25x128x128xf32>
    %eq3A_116 = arith.cmpf oeq, %get3A_6, %eq3A_115 : vector<25x128x128xf32>
    %eq3A_117 = vector.broadcast %broadcast_in_dim3A_106 : vector<1x128x128xi32> to vector<25x128x128xi32>
    %eq3A_118 = arith.cmpi eq, %add3A_17, %eq3A_117 : vector<25x128x128xi32>
    %and3A_119 = arith.andi %eq3A_116, %eq3A_118 : vector<25x128x128xi1>
    %jit3A_120 = arith.constant 0x7F800000 : f32
    %broadcast_in_dim3A_121 = vector.broadcast %jit3A_120 : f32 to vector<25x128x128xf32>
    %select_n3A_122 = arith.select %and3A_119, %broadcast_in_dim3A_121, %get3A_6 : vector<25x128x128xi1>, vector<25x128x128xf32>
    %reduce_min3A_123 = arith.constant dense<0x7F800000> : vector<128x128xf32>
    %reduce_min3A_124 = vector.multi_reduction <minimumf>, %select_n3A_114, %reduce_min3A_123 [0] : vector<25x128x128xf32> to vector<128x128xf32>
    %reduce_min3A_125 = arith.constant dense<0x7F800000> : vector<128x128xf32>
    %reduce_min3A_126 = vector.multi_reduction <minimumf>, %select_n3A_122, %reduce_min3A_125 [0] : vector<25x128x128xf32> to vector<128x128xf32>
    %min3A_127 = arith.minimumf %reduce_min3A_124, %reduce_min3A_126 : vector<128x128xf32>
    %reduce_min3A_128 = arith.constant dense<0x7F800000> : vector<128xf32>
    %reduce_min3A_129 = vector.multi_reduction <minimumf>, %min3A_127, %reduce_min3A_128 [1] : vector<128x128xf32> to vector<128xf32>
    %broadcast_in_dim3A_130 = vector.shape_cast %reduce_min3A_129 : vector<128xf32> to vector<128x1xf32>
    %broadcast_in_dim3A_131 = vector.shape_cast %broadcast_in_dim3A_130 : vector<128x1xf32> to vector<1x128x1xf32>
    %eq3A_132 = vector.broadcast %broadcast_in_dim3A_131 : vector<1x128x1xf32> to vector<25x128x128xf32>
    %eq3A_133 = arith.cmpf oeq, %select_n3A_114, %eq3A_132 : vector<25x128x128xf32>
    %jit3A_134 = arith.constant 8388608 : i32
    %broadcast_in_dim3A_135 = vector.broadcast %jit3A_134 : i32 to vector<25x128x128xi32>
    %select_n3A_136 = arith.select %eq3A_133, %add3A, %broadcast_in_dim3A_135 : vector<25x128x128xi1>, vector<25x128x128xi32>
    %reduce_min3A_137 = arith.constant dense<2147483647> : vector<128x128xi32>
    %reduce_min3A_138 = vector.multi_reduction <minsi>, %select_n3A_136, %reduce_min3A_137 [0] : vector<25x128x128xi32> to vector<128x128xi32>
    %eq3A_139 = vector.broadcast %broadcast_in_dim3A_131 : vector<1x128x1xf32> to vector<25x128x128xf32>
    %eq3A_140 = arith.cmpf oeq, %select_n3A_122, %eq3A_139 : vector<25x128x128xf32>
    %jit3A_141 = arith.constant 8388608 : i32
    %broadcast_in_dim3A_142 = vector.broadcast %jit3A_141 : i32 to vector<25x128x128xi32>
    %select_n3A_143 = arith.select %eq3A_140, %add3A_17, %broadcast_in_dim3A_142 : vector<25x128x128xi1>, vector<25x128x128xi32>
    %reduce_min3A_144 = arith.constant dense<2147483647> : vector<128x128xi32>
    %reduce_min3A_145 = vector.multi_reduction <minsi>, %select_n3A_143, %reduce_min3A_144 [0] : vector<25x128x128xi32> to vector<128x128xi32>
    %min3A_146 = arith.minsi %reduce_min3A_138, %reduce_min3A_145 : vector<128x128xi32>
    %mul3A_147 = arith.constant 128 : i32
    %mul3A_148 = vector.broadcast %mul3A_147 : i32 to vector<128x128xi32>
    %mul3A_149 = arith.muli %min3A_146, %mul3A_148 : vector<128x128xi32>
    %add3A_150 = arith.addi %mul3A_149, %iota3A_18 : vector<128x128xi32>
    %reduce_min3A_151 = arith.constant dense<2147483647> : vector<128xi32>
    %reduce_min3A_152 = vector.multi_reduction <minsi>, %add3A_150, %reduce_min3A_151 [1] : vector<128x128xi32> to vector<128xi32>
    %broadcast_in_dim3A_153 = vector.shape_cast %reduce_min3A_152 : vector<128xi32> to vector<128x1xi32>
    %eq3A_154 = arith.constant 1 : i32
    %eq3A_155 = vector.broadcast %eq3A_154 : i32 to vector<128x8xi32>
    %eq3A_156 = arith.cmpi eq, %iota3A_19, %eq3A_155 : vector<128x8xi32>
    %broadcast_in_dim3A_157 = vector.shape_cast %broadcast_in_dim3A_153 : vector<128x1xi32> to vector<128x1xi32>
    %broadcast_in_dim3A_158 = vector.broadcast %broadcast_in_dim3A_157 : vector<128x1xi32> to vector<128x8xi32>
    %select_n3A_159 = arith.select %eq3A_156, %broadcast_in_dim3A_158, %select_n3A_52 : vector<128x8xi1>, vector<128x8xi32>
    %jit3A_160 = arith.constant 128 : i32
    %eq3A_161 = arith.constant 0 : i32
    %eq3A_162 = arith.cmpi eq, %jit3A_160, %eq3A_161 : i32
    %jit3A_163 = arith.constant 1 : i32
    %select_n3A_164 = arith.select %eq3A_162, %jit3A_163, %jit3A_160 : i32
    %rem3A_165 = vector.broadcast %select_n3A_164 : i32 to vector<128x1xi32>
    %rem3A_166 = arith.remsi %broadcast_in_dim3A_153, %rem3A_165 : vector<128x1xi32>
    %ne3A_167 = arith.constant 0 : i32
    %ne3A_168 = vector.broadcast %ne3A_167 : i32 to vector<128x1xi32>
    %ne3A_169 = arith.cmpi ne, %rem3A_166, %ne3A_168 : vector<128x1xi32>
    %lt3A_170 = arith.constant 0 : i32
    %lt3A_171 = vector.broadcast %lt3A_170 : i32 to vector<128x1xi32>
    %lt3A_172 = arith.cmpi slt, %rem3A_166, %lt3A_171 : vector<128x1xi32>
    %lt3A_173 = arith.constant 0 : i32
    %lt3A_174 = arith.cmpi slt, %select_n3A_164, %lt3A_173 : i32
    %ne3A_175 = vector.broadcast %lt3A_174 : i1 to vector<128x1xi1>
    %ne3A_176 = vector.broadcast %ne3A_175 : vector<128x1xi1> to vector<128x1xi1>
    %ne3A_177 = arith.xori %lt3A_172, %ne3A_176 : vector<128x1xi1>
    %and3A_178 = arith.andi %ne3A_177, %ne3A_169 : vector<128x1xi1>
    %add3A_179 = vector.broadcast %select_n3A_164 : i32 to vector<128x1xi32>
    %add3A_180 = arith.addi %rem3A_166, %add3A_179 : vector<128x1xi32>
    %select_n3A_181 = arith.select %and3A_178, %add3A_180, %rem3A_166 : vector<128x1xi1>, vector<128x1xi32>
    %jit3A_182 = arith.constant 128 : i32
    %div3A_183 = vector.broadcast %jit3A_182 : i32 to vector<128x1xi32>
    %div3A_184 = arith.divsi %broadcast_in_dim3A_153, %div3A_183 : vector<128x1xi32>
    %sign3A_185 = arith.constant 0 : i32
    %sign3A_186 = vector.broadcast %sign3A_185 : i32 to vector<128x1xi32>
    %sign3A_187 = arith.cmpi sgt, %broadcast_in_dim3A_153, %sign3A_186 : vector<128x1xi32>
    %sign3A_188 = arith.extui %sign3A_187 : vector<128x1xi1> to vector<128x1xi32>
    %sign3A_189 = arith.constant 0 : i32
    %sign3A_190 = vector.broadcast %sign3A_189 : i32 to vector<128x1xi32>
    %sign3A_191 = arith.cmpi slt, %broadcast_in_dim3A_153, %sign3A_190 : vector<128x1xi32>
    %sign3A_192 = arith.extui %sign3A_191 : vector<128x1xi1> to vector<128x1xi32>
    %sign3A_193 = arith.subi %sign3A_188, %sign3A_192 : vector<128x1xi32>
    %sign3A_194 = arith.constant 0 : i32
    %sign3A_195 = arith.cmpi sgt, %jit3A_182, %sign3A_194 : i32
    %sign3A_196 = arith.extui %sign3A_195 : i1 to i32
    %sign3A_197 = arith.constant 0 : i32
    %sign3A_198 = arith.cmpi slt, %jit3A_182, %sign3A_197 : i32
    %sign3A_199 = arith.extui %sign3A_198 : i1 to i32
    %sign3A_200 = arith.subi %sign3A_196, %sign3A_199 : i32
    %ne3A_201 = vector.broadcast %sign3A_200 : i32 to vector<128x1xi32>
    %ne3A_202 = arith.cmpi ne, %sign3A_193, %ne3A_201 : vector<128x1xi32>
    %rem3A_203 = vector.broadcast %jit3A_182 : i32 to vector<128x1xi32>
    %rem3A_204 = arith.remsi %broadcast_in_dim3A_153, %rem3A_203 : vector<128x1xi32>
    %ne3A_205 = arith.constant 0 : i32
    %ne3A_206 = vector.broadcast %ne3A_205 : i32 to vector<128x1xi32>
    %ne3A_207 = arith.cmpi ne, %rem3A_204, %ne3A_206 : vector<128x1xi32>
    %and3A_208 = arith.andi %ne3A_202, %ne3A_207 : vector<128x1xi1>
    %sub3A_209 = arith.constant 1 : i32
    %sub3A_210 = vector.broadcast %sub3A_209 : i32 to vector<128x1xi32>
    %sub3A_211 = arith.subi %div3A_184, %sub3A_210 : vector<128x1xi32>
    %select_n3A_212 = arith.select %and3A_208, %sub3A_211, %div3A_184 : vector<128x1xi1>, vector<128x1xi32>
    %eq3A_213 = vector.broadcast %select_n3A_181 : vector<128x1xi32> to vector<128x128xi32>
    %eq3A_214 = arith.cmpi eq, %iota3A_18, %eq3A_213 : vector<128x128xi32>
    %jit3A_215 = arith.constant 8388608 : i32
    %broadcast_in_dim3A_216 = vector.shape_cast %select_n3A_212 : vector<128x1xi32> to vector<128x1xi32>
    %broadcast_in_dim3A_217 = vector.broadcast %broadcast_in_dim3A_216 : vector<128x1xi32> to vector<128x128xi32>
    %broadcast_in_dim3A_218 = vector.broadcast %jit3A_215 : i32 to vector<128x128xi32>
    %select_n3A_219 = arith.select %eq3A_214, %broadcast_in_dim3A_217, %broadcast_in_dim3A_218 : vector<128x128xi1>, vector<128x128xi32>
    %broadcast_in_dim3A_220 = vector.shape_cast %select_n3A_219 : vector<128x128xi32> to vector<1x128x128xi32>
    %eq3A_221 = vector.broadcast %broadcast_in_dim3A_131 : vector<1x128x1xf32> to vector<25x128x128xf32>
    %eq3A_222 = arith.cmpf oeq, %select_n3A_114, %eq3A_221 : vector<25x128x128xf32>
    %eq3A_223 = vector.broadcast %broadcast_in_dim3A_220 : vector<1x128x128xi32> to vector<25x128x128xi32>
    %eq3A_224 = arith.cmpi eq, %add3A, %eq3A_223 : vector<25x128x128xi32>
    %and3A_225 = arith.andi %eq3A_222, %eq3A_224 : vector<25x128x128xi1>
    %jit3A_226 = arith.constant 0x7F800000 : f32
    %broadcast_in_dim3A_227 = vector.broadcast %jit3A_226 : f32 to vector<25x128x128xf32>
    %select_n3A_228 = arith.select %and3A_225, %broadcast_in_dim3A_227, %select_n3A_114 : vector<25x128x128xi1>, vector<25x128x128xf32>
    %eq3A_229 = vector.broadcast %broadcast_in_dim3A_131 : vector<1x128x1xf32> to vector<25x128x128xf32>
    %eq3A_230 = arith.cmpf oeq, %select_n3A_122, %eq3A_229 : vector<25x128x128xf32>
    %eq3A_231 = vector.broadcast %broadcast_in_dim3A_220 : vector<1x128x128xi32> to vector<25x128x128xi32>
    %eq3A_232 = arith.cmpi eq, %add3A_17, %eq3A_231 : vector<25x128x128xi32>
    %and3A_233 = arith.andi %eq3A_230, %eq3A_232 : vector<25x128x128xi1>
    %jit3A_234 = arith.constant 0x7F800000 : f32
    %broadcast_in_dim3A_235 = vector.broadcast %jit3A_234 : f32 to vector<25x128x128xf32>
    %select_n3A_236 = arith.select %and3A_233, %broadcast_in_dim3A_235, %select_n3A_122 : vector<25x128x128xi1>, vector<25x128x128xf32>
    %reduce_min3A_237 = arith.constant dense<0x7F800000> : vector<128x128xf32>
    %reduce_min3A_238 = vector.multi_reduction <minimumf>, %select_n3A_228, %reduce_min3A_237 [0] : vector<25x128x128xf32> to vector<128x128xf32>
    %reduce_min3A_239 = arith.constant dense<0x7F800000> : vector<128x128xf32>
    %reduce_min3A_240 = vector.multi_reduction <minimumf>, %select_n3A_236, %reduce_min3A_239 [0] : vector<25x128x128xf32> to vector<128x128xf32>
    %min3A_241 = arith.minimumf %reduce_min3A_238, %reduce_min3A_240 : vector<128x128xf32>
    %reduce_min3A_242 = arith.constant dense<0x7F800000> : vector<128xf32>
    %reduce_min3A_243 = vector.multi_reduction <minimumf>, %min3A_241, %reduce_min3A_242 [1] : vector<128x128xf32> to vector<128xf32>
    %broadcast_in_dim3A_244 = vector.shape_cast %reduce_min3A_243 : vector<128xf32> to vector<128x1xf32>
    %broadcast_in_dim3A_245 = vector.shape_cast %broadcast_in_dim3A_244 : vector<128x1xf32> to vector<1x128x1xf32>
    %eq3A_246 = vector.broadcast %broadcast_in_dim3A_245 : vector<1x128x1xf32> to vector<25x128x128xf32>
    %eq3A_247 = arith.cmpf oeq, %select_n3A_228, %eq3A_246 : vector<25x128x128xf32>
    %jit3A_248 = arith.constant 8388608 : i32
    %broadcast_in_dim3A_249 = vector.broadcast %jit3A_248 : i32 to vector<25x128x128xi32>
    %select_n3A_250 = arith.select %eq3A_247, %add3A, %broadcast_in_dim3A_249 : vector<25x128x128xi1>, vector<25x128x128xi32>
    %reduce_min3A_251 = arith.constant dense<2147483647> : vector<128x128xi32>
    %reduce_min3A_252 = vector.multi_reduction <minsi>, %select_n3A_250, %reduce_min3A_251 [0] : vector<25x128x128xi32> to vector<128x128xi32>
    %eq3A_253 = vector.broadcast %broadcast_in_dim3A_245 : vector<1x128x1xf32> to vector<25x128x128xf32>
    %eq3A_254 = arith.cmpf oeq, %select_n3A_236, %eq3A_253 : vector<25x128x128xf32>
    %jit3A_255 = arith.constant 8388608 : i32
    %broadcast_in_dim3A_256 = vector.broadcast %jit3A_255 : i32 to vector<25x128x128xi32>
    %select_n3A_257 = arith.select %eq3A_254, %add3A_17, %broadcast_in_dim3A_256 : vector<25x128x128xi1>, vector<25x128x128xi32>
    %reduce_min3A_258 = arith.constant dense<2147483647> : vector<128x128xi32>
    %reduce_min3A_259 = vector.multi_reduction <minsi>, %select_n3A_257, %reduce_min3A_258 [0] : vector<25x128x128xi32> to vector<128x128xi32>
    %min3A_260 = arith.minsi %reduce_min3A_252, %reduce_min3A_259 : vector<128x128xi32>
    %mul3A_261 = arith.constant 128 : i32
    %mul3A_262 = vector.broadcast %mul3A_261 : i32 to vector<128x128xi32>
    %mul3A_263 = arith.muli %min3A_260, %mul3A_262 : vector<128x128xi32>
    %add3A_264 = arith.addi %mul3A_263, %iota3A_18 : vector<128x128xi32>
    %reduce_min3A_265 = arith.constant dense<2147483647> : vector<128xi32>
    %reduce_min3A_266 = vector.multi_reduction <minsi>, %add3A_264, %reduce_min3A_265 [1] : vector<128x128xi32> to vector<128xi32>
    %broadcast_in_dim3A_267 = vector.shape_cast %reduce_min3A_266 : vector<128xi32> to vector<128x1xi32>
    %eq3A_268 = arith.constant 2 : i32
    %eq3A_269 = vector.broadcast %eq3A_268 : i32 to vector<128x8xi32>
    %eq3A_270 = arith.cmpi eq, %iota3A_19, %eq3A_269 : vector<128x8xi32>
    %broadcast_in_dim3A_271 = vector.shape_cast %broadcast_in_dim3A_267 : vector<128x1xi32> to vector<128x1xi32>
    %broadcast_in_dim3A_272 = vector.broadcast %broadcast_in_dim3A_271 : vector<128x1xi32> to vector<128x8xi32>
    %select_n3A_273 = arith.select %eq3A_270, %broadcast_in_dim3A_272, %select_n3A_159 : vector<128x8xi1>, vector<128x8xi32>
    %jit3A_274 = arith.constant 128 : i32
    %eq3A_275 = arith.constant 0 : i32
    %eq3A_276 = arith.cmpi eq, %jit3A_274, %eq3A_275 : i32
    %jit3A_277 = arith.constant 1 : i32
    %select_n3A_278 = arith.select %eq3A_276, %jit3A_277, %jit3A_274 : i32
    %rem3A_279 = vector.broadcast %select_n3A_278 : i32 to vector<128x1xi32>
    %rem3A_280 = arith.remsi %broadcast_in_dim3A_267, %rem3A_279 : vector<128x1xi32>
    %ne3A_281 = arith.constant 0 : i32
    %ne3A_282 = vector.broadcast %ne3A_281 : i32 to vector<128x1xi32>
    %ne3A_283 = arith.cmpi ne, %rem3A_280, %ne3A_282 : vector<128x1xi32>
    %lt3A_284 = arith.constant 0 : i32
    %lt3A_285 = vector.broadcast %lt3A_284 : i32 to vector<128x1xi32>
    %lt3A_286 = arith.cmpi slt, %rem3A_280, %lt3A_285 : vector<128x1xi32>
    %lt3A_287 = arith.constant 0 : i32
    %lt3A_288 = arith.cmpi slt, %select_n3A_278, %lt3A_287 : i32
    %ne3A_289 = vector.broadcast %lt3A_288 : i1 to vector<128x1xi1>
    %ne3A_290 = vector.broadcast %ne3A_289 : vector<128x1xi1> to vector<128x1xi1>
    %ne3A_291 = arith.xori %lt3A_286, %ne3A_290 : vector<128x1xi1>
    %and3A_292 = arith.andi %ne3A_291, %ne3A_283 : vector<128x1xi1>
    %add3A_293 = vector.broadcast %select_n3A_278 : i32 to vector<128x1xi32>
    %add3A_294 = arith.addi %rem3A_280, %add3A_293 : vector<128x1xi32>
    %select_n3A_295 = arith.select %and3A_292, %add3A_294, %rem3A_280 : vector<128x1xi1>, vector<128x1xi32>
    %jit3A_296 = arith.constant 128 : i32
    %div3A_297 = vector.broadcast %jit3A_296 : i32 to vector<128x1xi32>
    %div3A_298 = arith.divsi %broadcast_in_dim3A_267, %div3A_297 : vector<128x1xi32>
    %sign3A_299 = arith.constant 0 : i32
    %sign3A_300 = vector.broadcast %sign3A_299 : i32 to vector<128x1xi32>
    %sign3A_301 = arith.cmpi sgt, %broadcast_in_dim3A_267, %sign3A_300 : vector<128x1xi32>
    %sign3A_302 = arith.extui %sign3A_301 : vector<128x1xi1> to vector<128x1xi32>
    %sign3A_303 = arith.constant 0 : i32
    %sign3A_304 = vector.broadcast %sign3A_303 : i32 to vector<128x1xi32>
    %sign3A_305 = arith.cmpi slt, %broadcast_in_dim3A_267, %sign3A_304 : vector<128x1xi32>
    %sign3A_306 = arith.extui %sign3A_305 : vector<128x1xi1> to vector<128x1xi32>
    %sign3A_307 = arith.subi %sign3A_302, %sign3A_306 : vector<128x1xi32>
    %sign3A_308 = arith.constant 0 : i32
    %sign3A_309 = arith.cmpi sgt, %jit3A_296, %sign3A_308 : i32
    %sign3A_310 = arith.extui %sign3A_309 : i1 to i32
    %sign3A_311 = arith.constant 0 : i32
    %sign3A_312 = arith.cmpi slt, %jit3A_296, %sign3A_311 : i32
    %sign3A_313 = arith.extui %sign3A_312 : i1 to i32
    %sign3A_314 = arith.subi %sign3A_310, %sign3A_313 : i32
    %ne3A_315 = vector.broadcast %sign3A_314 : i32 to vector<128x1xi32>
    %ne3A_316 = arith.cmpi ne, %sign3A_307, %ne3A_315 : vector<128x1xi32>
    %rem3A_317 = vector.broadcast %jit3A_296 : i32 to vector<128x1xi32>
    %rem3A_318 = arith.remsi %broadcast_in_dim3A_267, %rem3A_317 : vector<128x1xi32>
    %ne3A_319 = arith.constant 0 : i32
    %ne3A_320 = vector.broadcast %ne3A_319 : i32 to vector<128x1xi32>
    %ne3A_321 = arith.cmpi ne, %rem3A_318, %ne3A_320 : vector<128x1xi32>
    %and3A_322 = arith.andi %ne3A_316, %ne3A_321 : vector<128x1xi1>
    %sub3A_323 = arith.constant 1 : i32
    %sub3A_324 = vector.broadcast %sub3A_323 : i32 to vector<128x1xi32>
    %sub3A_325 = arith.subi %div3A_298, %sub3A_324 : vector<128x1xi32>
    %select_n3A_326 = arith.select %and3A_322, %sub3A_325, %div3A_298 : vector<128x1xi1>, vector<128x1xi32>
    %eq3A_327 = vector.broadcast %select_n3A_295 : vector<128x1xi32> to vector<128x128xi32>
    %eq3A_328 = arith.cmpi eq, %iota3A_18, %eq3A_327 : vector<128x128xi32>
    %jit3A_329 = arith.constant 8388608 : i32
    %broadcast_in_dim3A_330 = vector.shape_cast %select_n3A_326 : vector<128x1xi32> to vector<128x1xi32>
    %broadcast_in_dim3A_331 = vector.broadcast %broadcast_in_dim3A_330 : vector<128x1xi32> to vector<128x128xi32>
    %broadcast_in_dim3A_332 = vector.broadcast %jit3A_329 : i32 to vector<128x128xi32>
    %select_n3A_333 = arith.select %eq3A_328, %broadcast_in_dim3A_331, %broadcast_in_dim3A_332 : vector<128x128xi1>, vector<128x128xi32>
    %broadcast_in_dim3A_334 = vector.shape_cast %select_n3A_333 : vector<128x128xi32> to vector<1x128x128xi32>
    %eq3A_335 = vector.broadcast %broadcast_in_dim3A_245 : vector<1x128x1xf32> to vector<25x128x128xf32>
    %eq3A_336 = arith.cmpf oeq, %select_n3A_228, %eq3A_335 : vector<25x128x128xf32>
    %eq3A_337 = vector.broadcast %broadcast_in_dim3A_334 : vector<1x128x128xi32> to vector<25x128x128xi32>
    %eq3A_338 = arith.cmpi eq, %add3A, %eq3A_337 : vector<25x128x128xi32>
    %and3A_339 = arith.andi %eq3A_336, %eq3A_338 : vector<25x128x128xi1>
    %jit3A_340 = arith.constant 0x7F800000 : f32
    %broadcast_in_dim3A_341 = vector.broadcast %jit3A_340 : f32 to vector<25x128x128xf32>
    %select_n3A_342 = arith.select %and3A_339, %broadcast_in_dim3A_341, %select_n3A_228 : vector<25x128x128xi1>, vector<25x128x128xf32>
    %eq3A_343 = vector.broadcast %broadcast_in_dim3A_245 : vector<1x128x1xf32> to vector<25x128x128xf32>
    %eq3A_344 = arith.cmpf oeq, %select_n3A_236, %eq3A_343 : vector<25x128x128xf32>
    %eq3A_345 = vector.broadcast %broadcast_in_dim3A_334 : vector<1x128x128xi32> to vector<25x128x128xi32>
    %eq3A_346 = arith.cmpi eq, %add3A_17, %eq3A_345 : vector<25x128x128xi32>
    %and3A_347 = arith.andi %eq3A_344, %eq3A_346 : vector<25x128x128xi1>
    %jit3A_348 = arith.constant 0x7F800000 : f32
    %broadcast_in_dim3A_349 = vector.broadcast %jit3A_348 : f32 to vector<25x128x128xf32>
    %select_n3A_350 = arith.select %and3A_347, %broadcast_in_dim3A_349, %select_n3A_236 : vector<25x128x128xi1>, vector<25x128x128xf32>
    %reduce_min3A_351 = arith.constant dense<0x7F800000> : vector<128x128xf32>
    %reduce_min3A_352 = vector.multi_reduction <minimumf>, %select_n3A_342, %reduce_min3A_351 [0] : vector<25x128x128xf32> to vector<128x128xf32>
    %reduce_min3A_353 = arith.constant dense<0x7F800000> : vector<128x128xf32>
    %reduce_min3A_354 = vector.multi_reduction <minimumf>, %select_n3A_350, %reduce_min3A_353 [0] : vector<25x128x128xf32> to vector<128x128xf32>
    %min3A_355 = arith.minimumf %reduce_min3A_352, %reduce_min3A_354 : vector<128x128xf32>
    %reduce_min3A_356 = arith.constant dense<0x7F800000> : vector<128xf32>
    %reduce_min3A_357 = vector.multi_reduction <minimumf>, %min3A_355, %reduce_min3A_356 [1] : vector<128x128xf32> to vector<128xf32>
    %broadcast_in_dim3A_358 = vector.shape_cast %reduce_min3A_357 : vector<128xf32> to vector<128x1xf32>
    %broadcast_in_dim3A_359 = vector.shape_cast %broadcast_in_dim3A_358 : vector<128x1xf32> to vector<1x128x1xf32>
    %eq3A_360 = vector.broadcast %broadcast_in_dim3A_359 : vector<1x128x1xf32> to vector<25x128x128xf32>
    %eq3A_361 = arith.cmpf oeq, %select_n3A_342, %eq3A_360 : vector<25x128x128xf32>
    %jit3A_362 = arith.constant 8388608 : i32
    %broadcast_in_dim3A_363 = vector.broadcast %jit3A_362 : i32 to vector<25x128x128xi32>
    %select_n3A_364 = arith.select %eq3A_361, %add3A, %broadcast_in_dim3A_363 : vector<25x128x128xi1>, vector<25x128x128xi32>
    %reduce_min3A_365 = arith.constant dense<2147483647> : vector<128x128xi32>
    %reduce_min3A_366 = vector.multi_reduction <minsi>, %select_n3A_364, %reduce_min3A_365 [0] : vector<25x128x128xi32> to vector<128x128xi32>
    %eq3A_367 = vector.broadcast %broadcast_in_dim3A_359 : vector<1x128x1xf32> to vector<25x128x128xf32>
    %eq3A_368 = arith.cmpf oeq, %select_n3A_350, %eq3A_367 : vector<25x128x128xf32>
    %jit3A_369 = arith.constant 8388608 : i32
    %broadcast_in_dim3A_370 = vector.broadcast %jit3A_369 : i32 to vector<25x128x128xi32>
    %select_n3A_371 = arith.select %eq3A_368, %add3A_17, %broadcast_in_dim3A_370 : vector<25x128x128xi1>, vector<25x128x128xi32>
    %reduce_min3A_372 = arith.constant dense<2147483647> : vector<128x128xi32>
    %reduce_min3A_373 = vector.multi_reduction <minsi>, %select_n3A_371, %reduce_min3A_372 [0] : vector<25x128x128xi32> to vector<128x128xi32>
    %min3A_374 = arith.minsi %reduce_min3A_366, %reduce_min3A_373 : vector<128x128xi32>
    %mul3A_375 = arith.constant 128 : i32
    %mul3A_376 = vector.broadcast %mul3A_375 : i32 to vector<128x128xi32>
    %mul3A_377 = arith.muli %min3A_374, %mul3A_376 : vector<128x128xi32>
    %add3A_378 = arith.addi %mul3A_377, %iota3A_18 : vector<128x128xi32>
    %reduce_min3A_379 = arith.constant dense<2147483647> : vector<128xi32>
    %reduce_min3A_380 = vector.multi_reduction <minsi>, %add3A_378, %reduce_min3A_379 [1] : vector<128x128xi32> to vector<128xi32>
    %broadcast_in_dim3A_381 = vector.shape_cast %reduce_min3A_380 : vector<128xi32> to vector<128x1xi32>
    %eq3A_382 = arith.constant 3 : i32
    %eq3A_383 = vector.broadcast %eq3A_382 : i32 to vector<128x8xi32>
    %eq3A_384 = arith.cmpi eq, %iota3A_19, %eq3A_383 : vector<128x8xi32>
    %broadcast_in_dim3A_385 = vector.shape_cast %broadcast_in_dim3A_381 : vector<128x1xi32> to vector<128x1xi32>
    %broadcast_in_dim3A_386 = vector.broadcast %broadcast_in_dim3A_385 : vector<128x1xi32> to vector<128x8xi32>
    %select_n3A_387 = arith.select %eq3A_384, %broadcast_in_dim3A_386, %select_n3A_273 : vector<128x8xi1>, vector<128x8xi32>
    %jit3A_388 = arith.constant 128 : i32
    %eq3A_389 = arith.constant 0 : i32
    %eq3A_390 = arith.cmpi eq, %jit3A_388, %eq3A_389 : i32
    %jit3A_391 = arith.constant 1 : i32
    %select_n3A_392 = arith.select %eq3A_390, %jit3A_391, %jit3A_388 : i32
    %rem3A_393 = vector.broadcast %select_n3A_392 : i32 to vector<128x1xi32>
    %rem3A_394 = arith.remsi %broadcast_in_dim3A_381, %rem3A_393 : vector<128x1xi32>
    %ne3A_395 = arith.constant 0 : i32
    %ne3A_396 = vector.broadcast %ne3A_395 : i32 to vector<128x1xi32>
    %ne3A_397 = arith.cmpi ne, %rem3A_394, %ne3A_396 : vector<128x1xi32>
    %lt3A_398 = arith.constant 0 : i32
    %lt3A_399 = vector.broadcast %lt3A_398 : i32 to vector<128x1xi32>
    %lt3A_400 = arith.cmpi slt, %rem3A_394, %lt3A_399 : vector<128x1xi32>
    %lt3A_401 = arith.constant 0 : i32
    %lt3A_402 = arith.cmpi slt, %select_n3A_392, %lt3A_401 : i32
    %ne3A_403 = vector.broadcast %lt3A_402 : i1 to vector<128x1xi1>
    %ne3A_404 = vector.broadcast %ne3A_403 : vector<128x1xi1> to vector<128x1xi1>
    %ne3A_405 = arith.xori %lt3A_400, %ne3A_404 : vector<128x1xi1>
    %and3A_406 = arith.andi %ne3A_405, %ne3A_397 : vector<128x1xi1>
    %add3A_407 = vector.broadcast %select_n3A_392 : i32 to vector<128x1xi32>
    %add3A_408 = arith.addi %rem3A_394, %add3A_407 : vector<128x1xi32>
    %select_n3A_409 = arith.select %and3A_406, %add3A_408, %rem3A_394 : vector<128x1xi1>, vector<128x1xi32>
    %jit3A_410 = arith.constant 128 : i32
    %div3A_411 = vector.broadcast %jit3A_410 : i32 to vector<128x1xi32>
    %div3A_412 = arith.divsi %broadcast_in_dim3A_381, %div3A_411 : vector<128x1xi32>
    %sign3A_413 = arith.constant 0 : i32
    %sign3A_414 = vector.broadcast %sign3A_413 : i32 to vector<128x1xi32>
    %sign3A_415 = arith.cmpi sgt, %broadcast_in_dim3A_381, %sign3A_414 : vector<128x1xi32>
    %sign3A_416 = arith.extui %sign3A_415 : vector<128x1xi1> to vector<128x1xi32>
    %sign3A_417 = arith.constant 0 : i32
    %sign3A_418 = vector.broadcast %sign3A_417 : i32 to vector<128x1xi32>
    %sign3A_419 = arith.cmpi slt, %broadcast_in_dim3A_381, %sign3A_418 : vector<128x1xi32>
    %sign3A_420 = arith.extui %sign3A_419 : vector<128x1xi1> to vector<128x1xi32>
    %sign3A_421 = arith.subi %sign3A_416, %sign3A_420 : vector<128x1xi32>
    %sign3A_422 = arith.constant 0 : i32
    %sign3A_423 = arith.cmpi sgt, %jit3A_410, %sign3A_422 : i32
    %sign3A_424 = arith.extui %sign3A_423 : i1 to i32
    %sign3A_425 = arith.constant 0 : i32
    %sign3A_426 = arith.cmpi slt, %jit3A_410, %sign3A_425 : i32
    %sign3A_427 = arith.extui %sign3A_426 : i1 to i32
    %sign3A_428 = arith.subi %sign3A_424, %sign3A_427 : i32
    %ne3A_429 = vector.broadcast %sign3A_428 : i32 to vector<128x1xi32>
    %ne3A_430 = arith.cmpi ne, %sign3A_421, %ne3A_429 : vector<128x1xi32>
    %rem3A_431 = vector.broadcast %jit3A_410 : i32 to vector<128x1xi32>
    %rem3A_432 = arith.remsi %broadcast_in_dim3A_381, %rem3A_431 : vector<128x1xi32>
    %ne3A_433 = arith.constant 0 : i32
    %ne3A_434 = vector.broadcast %ne3A_433 : i32 to vector<128x1xi32>
    %ne3A_435 = arith.cmpi ne, %rem3A_432, %ne3A_434 : vector<128x1xi32>
    %and3A_436 = arith.andi %ne3A_430, %ne3A_435 : vector<128x1xi1>
    %sub3A_437 = arith.constant 1 : i32
    %sub3A_438 = vector.broadcast %sub3A_437 : i32 to vector<128x1xi32>
    %sub3A_439 = arith.subi %div3A_412, %sub3A_438 : vector<128x1xi32>
    %select_n3A_440 = arith.select %and3A_436, %sub3A_439, %div3A_412 : vector<128x1xi1>, vector<128x1xi32>
    %eq3A_441 = vector.broadcast %select_n3A_409 : vector<128x1xi32> to vector<128x128xi32>
    %eq3A_442 = arith.cmpi eq, %iota3A_18, %eq3A_441 : vector<128x128xi32>
    %jit3A_443 = arith.constant 8388608 : i32
    %broadcast_in_dim3A_444 = vector.shape_cast %select_n3A_440 : vector<128x1xi32> to vector<128x1xi32>
    %broadcast_in_dim3A_445 = vector.broadcast %broadcast_in_dim3A_444 : vector<128x1xi32> to vector<128x128xi32>
    %broadcast_in_dim3A_446 = vector.broadcast %jit3A_443 : i32 to vector<128x128xi32>
    %select_n3A_447 = arith.select %eq3A_442, %broadcast_in_dim3A_445, %broadcast_in_dim3A_446 : vector<128x128xi1>, vector<128x128xi32>
    %broadcast_in_dim3A_448 = vector.shape_cast %select_n3A_447 : vector<128x128xi32> to vector<1x128x128xi32>
    %eq3A_449 = vector.broadcast %broadcast_in_dim3A_359 : vector<1x128x1xf32> to vector<25x128x128xf32>
    %eq3A_450 = arith.cmpf oeq, %select_n3A_342, %eq3A_449 : vector<25x128x128xf32>
    %eq3A_451 = vector.broadcast %broadcast_in_dim3A_448 : vector<1x128x128xi32> to vector<25x128x128xi32>
    %eq3A_452 = arith.cmpi eq, %add3A, %eq3A_451 : vector<25x128x128xi32>
    %and3A_453 = arith.andi %eq3A_450, %eq3A_452 : vector<25x128x128xi1>
    %jit3A_454 = arith.constant 0x7F800000 : f32
    %broadcast_in_dim3A_455 = vector.broadcast %jit3A_454 : f32 to vector<25x128x128xf32>
    %select_n3A_456 = arith.select %and3A_453, %broadcast_in_dim3A_455, %select_n3A_342 : vector<25x128x128xi1>, vector<25x128x128xf32>
    %eq3A_457 = vector.broadcast %broadcast_in_dim3A_359 : vector<1x128x1xf32> to vector<25x128x128xf32>
    %eq3A_458 = arith.cmpf oeq, %select_n3A_350, %eq3A_457 : vector<25x128x128xf32>
    %eq3A_459 = vector.broadcast %broadcast_in_dim3A_448 : vector<1x128x128xi32> to vector<25x128x128xi32>
    %eq3A_460 = arith.cmpi eq, %add3A_17, %eq3A_459 : vector<25x128x128xi32>
    %and3A_461 = arith.andi %eq3A_458, %eq3A_460 : vector<25x128x128xi1>
    %jit3A_462 = arith.constant 0x7F800000 : f32
    %broadcast_in_dim3A_463 = vector.broadcast %jit3A_462 : f32 to vector<25x128x128xf32>
    %select_n3A_464 = arith.select %and3A_461, %broadcast_in_dim3A_463, %select_n3A_350 : vector<25x128x128xi1>, vector<25x128x128xf32>
    %reduce_min3A_465 = arith.constant dense<0x7F800000> : vector<128x128xf32>
    %reduce_min3A_466 = vector.multi_reduction <minimumf>, %select_n3A_456, %reduce_min3A_465 [0] : vector<25x128x128xf32> to vector<128x128xf32>
    %reduce_min3A_467 = arith.constant dense<0x7F800000> : vector<128x128xf32>
    %reduce_min3A_468 = vector.multi_reduction <minimumf>, %select_n3A_464, %reduce_min3A_467 [0] : vector<25x128x128xf32> to vector<128x128xf32>
    %min3A_469 = arith.minimumf %reduce_min3A_466, %reduce_min3A_468 : vector<128x128xf32>
    %reduce_min3A_470 = arith.constant dense<0x7F800000> : vector<128xf32>
    %reduce_min3A_471 = vector.multi_reduction <minimumf>, %min3A_469, %reduce_min3A_470 [1] : vector<128x128xf32> to vector<128xf32>
    %broadcast_in_dim3A_472 = vector.shape_cast %reduce_min3A_471 : vector<128xf32> to vector<128x1xf32>
    %broadcast_in_dim3A_473 = vector.shape_cast %broadcast_in_dim3A_472 : vector<128x1xf32> to vector<1x128x1xf32>
    %eq3A_474 = vector.broadcast %broadcast_in_dim3A_473 : vector<1x128x1xf32> to vector<25x128x128xf32>
    %eq3A_475 = arith.cmpf oeq, %select_n3A_456, %eq3A_474 : vector<25x128x128xf32>
    %jit3A_476 = arith.constant 8388608 : i32
    %broadcast_in_dim3A_477 = vector.broadcast %jit3A_476 : i32 to vector<25x128x128xi32>
    %select_n3A_478 = arith.select %eq3A_475, %add3A, %broadcast_in_dim3A_477 : vector<25x128x128xi1>, vector<25x128x128xi32>
    %reduce_min3A_479 = arith.constant dense<2147483647> : vector<128x128xi32>
    %reduce_min3A_480 = vector.multi_reduction <minsi>, %select_n3A_478, %reduce_min3A_479 [0] : vector<25x128x128xi32> to vector<128x128xi32>
    %eq3A_481 = vector.broadcast %broadcast_in_dim3A_473 : vector<1x128x1xf32> to vector<25x128x128xf32>
    %eq3A_482 = arith.cmpf oeq, %select_n3A_464, %eq3A_481 : vector<25x128x128xf32>
    %jit3A_483 = arith.constant 8388608 : i32
    %broadcast_in_dim3A_484 = vector.broadcast %jit3A_483 : i32 to vector<25x128x128xi32>
    %select_n3A_485 = arith.select %eq3A_482, %add3A_17, %broadcast_in_dim3A_484 : vector<25x128x128xi1>, vector<25x128x128xi32>
    %reduce_min3A_486 = arith.constant dense<2147483647> : vector<128x128xi32>
    %reduce_min3A_487 = vector.multi_reduction <minsi>, %select_n3A_485, %reduce_min3A_486 [0] : vector<25x128x128xi32> to vector<128x128xi32>
    %min3A_488 = arith.minsi %reduce_min3A_480, %reduce_min3A_487 : vector<128x128xi32>
    %mul3A_489 = arith.constant 128 : i32
    %mul3A_490 = vector.broadcast %mul3A_489 : i32 to vector<128x128xi32>
    %mul3A_491 = arith.muli %min3A_488, %mul3A_490 : vector<128x128xi32>
    %add3A_492 = arith.addi %mul3A_491, %iota3A_18 : vector<128x128xi32>
    %reduce_min3A_493 = arith.constant dense<2147483647> : vector<128xi32>
    %reduce_min3A_494 = vector.multi_reduction <minsi>, %add3A_492, %reduce_min3A_493 [1] : vector<128x128xi32> to vector<128xi32>
    %broadcast_in_dim3A_495 = vector.shape_cast %reduce_min3A_494 : vector<128xi32> to vector<128x1xi32>
    %eq3A_496 = arith.constant 4 : i32
    %eq3A_497 = vector.broadcast %eq3A_496 : i32 to vector<128x8xi32>
    %eq3A_498 = arith.cmpi eq, %iota3A_19, %eq3A_497 : vector<128x8xi32>
    %broadcast_in_dim3A_499 = vector.shape_cast %broadcast_in_dim3A_495 : vector<128x1xi32> to vector<128x1xi32>
    %broadcast_in_dim3A_500 = vector.broadcast %broadcast_in_dim3A_499 : vector<128x1xi32> to vector<128x8xi32>
    %select_n3A_501 = arith.select %eq3A_498, %broadcast_in_dim3A_500, %select_n3A_387 : vector<128x8xi1>, vector<128x8xi32>
    %swap3A = arith.constant 0 : index
    %swap3A_502 = arith.constant 0 : index
    %swap3A_503 = vector.load %arg5[%swap3A, %swap3A_502] : memref<128x8xi32, #tpu.memory_space<vmem>>, vector<128x8xi32>
    tpu.vector_store %arg5[%swap3A, %swap3A_502], %select_n3A_501 {strides = array<i32>} : memref<128x8xi32, #tpu.memory_space<vmem>>, vector<128x8xi32>,
    return
  }
  func.func @transform_0(%arg0: i32) -> (i32, i32, i32) {
    %c0_i32 = arith.constant 0 : i32
    %c0_i32_0 = arith.constant 0 : i32
    %c0_i32_1 = arith.constant 0 : i32
    return %c0_i32, %arg0, %c0_i32_0 : i32, i32, i32
  }
  func.func @transform_1(%arg0: i32) -> (i32, i32, i32) {
    %c0_i32 = arith.constant 0 : i32
    %c0_i32_0 = arith.constant 0 : i32
    %c0_i32_1 = arith.constant 0 : i32
    return %c0_i32, %arg0, %c0_i32_0 : i32, i32, i32
  }
  func.func @transform_2(%arg0: i32) -> (i32, i32, i32) {
    %c0_i32 = arith.constant 0 : i32
    %c0_i32_0 = arith.constant 0 : i32
    %c0_i32_1 = arith.constant 0 : i32
    return %c0_i32, %arg0, %c0_i32_0 : i32, i32, i32
  }
  func.func @transform_3(%arg0: i32) -> (i32, i32, i32) {
    %c0_i32 = arith.constant 0 : i32
    %c0_i32_0 = arith.constant 0 : i32
    %c0_i32_1 = arith.constant 0 : i32
    return %c0_i32, %arg0, %c0_i32_0 : i32, i32, i32
  }
  func.func @transform_4(%arg0: i32) -> (i32, i32) {
    %c0_i32 = arith.constant 0 : i32
    %c0_i32_0 = arith.constant 0 : i32
    return %arg0, %c0_i32 : i32, i32
  }
}

</mosaic_0001>

<sc_bundles>
// kernel: kernel.5.cloned.1.call-start
scs
__scs_entry_jumppad:
0x0: {  	(pc) =	sbr.rel $0x88, $3  }
0x1: {  	(tag) =	ssettag $0x0;
	lr =	simm.s32 $0x1  }
0x2: {  	[smem:$0x3F9E] =	sst lr;
	_ =	strace $0xD0000000  }
0x3: {  	_ = 	snop  }
0x4: {  	_ = 	snop  }
0x5: {  	_ = 	snop  }
0x6: {  	_ = 	snop  }
0x7: {  	_ = 	snop  }
__scs_overlays_trampoline_lowered:
0x8: {  	[smem:$0x3FAD] =	sst s0  }
0x9: {  	[smem:$0x3FAE] =	sst s1  }
0xa: {  	[smem:$0x3FAF] =	sst s2  }
0xb: {  	[smem:$0x3FB0] =	sst s3  }
0xc: {  	[smem:$0x3FB1] =	sst s4  }
0xd: {  	[smem:$0x3FB2] =	sst s5  }
0xe: {  	[smem:$0x3FB3] =	sst s6  }
0xf: {  	[smem:$0x3FB4] =	sst s7  }
0x10: {  	[smem:$0x3FB5] =	sst s8  }
0x11: {  	[smem:$0x3FB6] =	sst s9;
	s0 =	simm.s32 @!p0 $0x0  }
0x12: {  	s1 =	sld [smem:$0x3F9C];
	s0 =	simm.s32 @p0 $0x1  }
0x13: {  	[smem:$0x3FB7] =	sst s0;
	s0 =	simm.s32 @!p1 $0x0  }
0x14: {  	s2 =	sld [smem:$0x3F9B];
	s0 =	simm.s32 @p1 $0x1  }
0x15: {  	[smem:$0x3FB8] =	sst s0;
	s0 =	simm.s32 @!p2 $0x0  }
0x16: {  	s3 =	sld [smem:$0x3FDB];
	s0 =	simm.s32 @p2 $0x1  }
0x17: {  	s4 =	simm.s32 $0x1BF5;
	[smem:$0x3FBA] =	sst s0  }
0x18: {  	s0 =	sld [smem:$0x3F9D];
	_ =	swait.ge [sflag:s4], $0x0  }
0x19: {  	s7 =	sld [smem:$0x3F9E]  }
0x1a: {  	s8 =	sadd.s32 $0xFFFFE003, lr  }
0x1b: {  	s9 =	sadd.s32 $0xFFFFFEF7, lr;
	s5 =	simm.s32 $0xFFFFFFFF;
	p2 =	slt.u32 s8, $0xFFFFF086  }
0x1c: {  	p1 =	slt.u32 s9, $0xF7A;
	s5 =	simm.s32 @!p2 $0x0  }
0x1d: {  	s5 =	simm.s32 @p1 $0x1;
	p0 =	seq.s32 s7, s2  }
0x1e: {  	s7 =	smul.u32 @!p0 $0xF7A, s2;
	p2 =	seq.s32 @!p0 s5, $0x0  }
0x1f: {  	s9 =	smul.u32 $0xF7A, s1;
	s8 =	simm.s32 @!p0 $0x1BF5;
	p2 =	por !p2, p0  }
0x20: {  	[sflag:s8] =	ssyncset.s32 @!p0 $0xFFFFF086;
	s6 =	sadd.s32 @!p0 s3, s7;
	s7 =	simm.s32 @!p0 $0x108  }
0x21: {  	s3 =	sadd.s32 s3, s9;
	s6 =	sadd.s32 @!p0 $0x88, s6;
	s7 =	simm.s32 @p2 $0x1082  }
0x22: {  	[simem:s7], [sflag:s8] =	dma.local @!p0 [hbm:s6], $0xF7A  }
0x23: {  	s9 =	sor.u32 $0xD0000000, s2;
	s6 =	simm.s32 $0x108;
	_ =	swait.ge @!p0 [sflag:s8], $0x0  }
0x24: {  	s3 =	sadd.s32 $0x88, s3;
	s6 =	simm.s32 @!p1 $0x1082;
	[sflag:s4] =	ssyncset.s32 $0xFFFFF086  }
0x25: {  	[simem:s6], [sflag:s4] =	dma.local [hbm:s3], $0xF7A  }
0x26: {  	[smem:$0x3F9E] =	sst s1;
	(tag) =	ssettag s2;
	_ =	strace s9  }
0x27: {  	s1 =	sld [smem:$0x3FAE]  }
0x28: {  	s2 =	sld [smem:$0x3FAF]  }
0x29: {  	s4 =	sld [smem:$0x3FB1]  }
0x2a: {  	p0 =	seq.s32 s5, $0x0;
	s5 =	sld [smem:$0x3FB2]  }
0x2b: {  	s6 =	sld [smem:$0x3FB3]  }
0x2c: {  	s7 =	sld [smem:$0x3FB4]  }
0x2d: {  	s3 =	simm.s32 $0x108;
	s8 =	sld [smem:$0x3FB5]  }
0x2e: {  	s3 =	simm.s32 @!p0 $0x1082;
	s9 =	sld [smem:$0x3FB6]  }
0x2f: {  	lr =	sadd.s32 s0, s3;
	s0 =	sld [smem:$0x3FAD]  }
0x30: {  	s3 =	sld [smem:$0x3FB0]  }
0x31: {  	[smem:$0x3FB9] =	sst s10  }
0x32: {  	s10 =	sld [smem:$0x3FB7];
	_ =	sdelay $0x3  }
0x33: {  	p0 =	seq.s32 s10, $0x1;
	s10 =	sld [smem:$0x3FB9];
	_ =	sdelay $0x3  }
0x34: {  	[smem:$0x3FB9] =	sst s10  }
0x35: {  	s10 =	sld [smem:$0x3FB8];
	_ =	sdelay $0x3  }
0x36: {  	p1 =	seq.s32 s10, $0x1;
	s10 =	sld [smem:$0x3FB9];
	_ =	sdelay $0x3  }
0x37: {  	[smem:$0x3FB9] =	sst s10  }
0x38: {  	s10 =	sld [smem:$0x3FBA]  }
0x39: {  	_ = 	snop;
	(pc) =	sbr.ind lr, $3  }
0x3a: {  	_ = 	snop  }
0x3b: {  	_ = 	snop  }
0x3c: {  	p2 =	seq.s32 s10, $0x1;
	s10 =	sld [smem:$0x3FB9]  }
0x3d: {  	_ =	shalt  }
0x3e: {  	_ =	shalt  }
0x3f: {  	_ =	shalt  }
0x40: {  	_ =	shalt  }
0x41: {  	_ =	shalt  }
0x42: {  	_ =	shalt  }
0x43: {  	_ =	shalt  }
0x44: {  	_ =	shalt  }
0x45: {  	_ =	shalt  }
0x46: {  	_ =	shalt  }
0x47: {  	_ =	shalt  }
0x48: {  	_ =	shalt  }
0x49: {  	_ =	shalt  }
0x4a: {  	_ =	shalt  }
0x4b: {  	_ =	shalt  }
0x4c: {  	_ =	shalt  }
0x4d: {  	_ =	shalt  }
0x4e: {  	_ =	shalt  }
0x4f: {  	_ =	shalt  }
0x50: {  	_ =	shalt  }
0x51: {  	_ =	shalt  }
0x52: {  	_ =	shalt  }
0x53: {  	_ =	shalt  }
0x54: {  	_ =	shalt  }
0x55: {  	_ =	shalt  }
0x56: {  	_ =	shalt  }
0x57: {  	_ =	shalt  }
0x58: {  	_ =	shalt  }
0x59: {  	_ =	shalt  }
0x5a: {  	_ =	shalt  }
0x5b: {  	_ =	shalt  }
0x5c: {  	_ =	shalt  }
0x5d: {  	_ =	shalt  }
0x5e: {  	_ =	shalt  }
0x5f: {  	_ =	shalt  }
0x60: {  	_ =	shalt  }
0x61: {  	_ =	shalt  }
0x62: {  	_ =	shalt  }
0x63: {  	_ =	shalt  }
0x64: {  	_ =	shalt  }
0x65: {  	_ =	shalt  }
0x66: {  	_ =	shalt  }
0x67: {  	_ =	shalt  }
0x68: {  	_ =	shalt  }
0x69: {  	_ =	shalt  }
0x6a: {  	_ =	shalt  }
0x6b: {  	_ =	shalt  }
0x6c: {  	_ =	shalt  }
0x6d: {  	_ =	shalt  }
0x6e: {  	_ =	shalt  }
0x6f: {  	_ =	shalt  }
0x70: {  	_ =	shalt  }
0x71: {  	_ =	shalt  }
0x72: {  	_ =	shalt  }
0x73: {  	_ =	shalt  }
0x74: {  	_ =	shalt  }
0x75: {  	_ =	shalt  }
0x76: {  	_ =	shalt  }
0x77: {  	_ =	shalt  }
0x78: {  	_ =	shalt  }
0x79: {  	_ =	shalt  }
0x7a: {  	_ =	shalt  }
0x7b: {  	_ =	shalt  }
0x7c: {  	_ =	shalt  }
0x7d: {  	_ =	shalt  }
0x7e: {  	_ =	shalt  }
0x7f: {  	_ =	shalt  }
0x80: {  	_ =	shalt  }
0x81: {  	_ =	shalt  }
0x82: {  	_ =	shalt  }
0x83: {  	_ =	shalt  }
0x84: {  	_ =	shalt  }
0x85: {  	_ =	shalt  }
0x86: {  	_ =	shalt  }
0x87: {  	_ =	shalt  }
.Lfunc_end0:
.L_simem_size_0:
called_computation_lowered:
.L_overlay_start_0:
0x88: {  	s2 =	sld [smem:$0x3FD9]  }
0x89: {  	s3 =	sld [smem:$0x3FFE];
	_ =	sdelay $0x1  }
0x8a: {  	s1 =	srdreg.scid  }
0x8b: {  	s0 =	sand.u32 $0x1, s1  }
0x8c: {  	s17 =	sshll.u32 s0, $0xA;
	s2 =	sadd.s32 s3, s2  }
0x8d: {  	s2 =	sadd.s32 s2, s17  }
0x8e: {  	[smem:$0x3FC5] =	sst s2  }
0x8f: {  	_ = 	snop  }
0x90: {  	s2 =	sld [smem:$0x3FC7]  }
0x91: {  	s18 =	sld [smem:$0x3FD0];
	(tm) =	ssettm $0x1  }
0x92: {  	s4 =	sld [smem:$0x3FFB];
	_ =	sdelay $0x3  }
0x93: {  	_ =	strace s4  }
0x94: {  	s4 =	sld [smem:$0x3FFC];
	_ =	sdelay $0x3  }
0x95: {  	_ =	strace s4  }
0x96: {  	s4 =	sld [smem:$0x3FFD];
	_ =	sdelay $0x3  }
0x97: {  	_ =	strace s4  }
0x98: {  	_ =	strace $0x8FFFFFFF  }
0x99: {  	s19 =	sld [smem:$0x3FDB];
	_ =	sdelay $0x1  }
0x9a: {  	s5 =	simm.s32 $_scs_section_size  }
0x9b: {  	s6 =	simm.s32 $_size__tile_overlayer_lowered;
	s7 =	simm.s32 $_tile_overlayer_lowered  }
0x9c: {  	s22 =	simm.s32 $0x1BFF;
	s21 =	sshll.u32 s7, $0x1;
	s4 =	sadd.s32 s5, s19  }
0x9d: {  	s8 =	simm.s32 $0x0;
	s20 =	sshll.u32 s6, $0x1;
	s6 =	sadd.s32 s21, s4  }
0x9e: {  	[timem:s8], [sflag:s22] =	dma.local [hbm:s6], s20  }
0x9f: {  	_ =	swait.ge [sflag:s22], s20  }
0xa0: {  	s5 =	ssub.s32 $0x0, s20;
	[sflag:s22] =	ssyncset.done $0x0  }
0xa1: {  	[sflag:s22] =	ssyncadd.s32 s5;
	_ =	sdelay $0x1  }
0xa2: {  	s23 =	simm.s32 $0x1B8B  }
0xa3: {  	_ =	swait.ge [sflag:s23], $0x1  }
0xa4: {  	[sflag:s23] =	ssyncset.done $0x0  }
0xa5: {  	s25 =	simm.s32 $0x1B8E;
	s24 =	sld [smem:$0x3FFE];
	[sflag:s23] =	ssyncadd.s32 $0xFFFFFFFF  }
0xa6: {  	s26 =	simm.s32 $execute0_lowered;
	[smem:$0x3FD2] =	sst s25  }
0xa7: {  	s6 =	sshll.u32 s26, $0x1;
	_ =	strace $0x80000046;
	[dreg:$0x1] =	wrdreg $0xFFFFFFFF  }
0xa8: {  	s28 =	simm.s32 $_size_execute0_lowered;
	s4 =	sadd.s32 s4, s6;
	[dreg:$0x0] =	wrdreg $0x0  }
0xa9: {  	s6 =	sshll.u32 s28, $0x1;
	[dreg:$0x2] =	wrdreg s4  }
0xaa: {  	[dreg:$0x3] =	wrdreg s6  }
0xab: {  	[dreg:$0x4] =	wrdreg $0xC0  }
0xac: {  	_ =	task [dreg:s8], $0x5FFFF  }
0xad: {  	[dreg:$0x1] =	wrdreg $0xFFFFFFFF  }
0xae: {  	[dreg:$0x0] =	wrdreg $0x60  }
0xaf: {  	[dreg:$0x2] =	wrdreg s24  }
0xb0: {  	[dreg:$0x3] =	wrdreg s2  }
0xb1: {  	[dreg:$0x4] =	wrdreg s18  }
0xb2: {  	[dreg:$0x5] =	wrdreg $0x9  }
0xb3: {  	_ =	task.clear_ibuf [dreg:s8], $0x6FFFF;
	_ =	strace $0x90000046  }
0xb4: {  	s29 =	simm.s32 $0x9;
	_ =	strace $0x80000048  }
0xb5: {  	_ =	swait.ge [sflag:s29], $0x1  }
0xb6: {  	[sflag:s29] =	ssyncadd.s32 $0xFFFFFFFF  }
0xb7: {  	_ =	strace $0x90000048  }
0xb8: {  	_ =	sfence  }
0xb9: {  	s30 =	sld [smem:$0x0];
	_ =	sdelay $0x2  }
0xba: {  	s31 =	sshll.u32 s1, $0xD;
	s1 =	sshrl.u32 s1, $0x2  }
0xbb: {  	s3 =	sand.u32 $0x4000, s31;
	s1 =	sadd.s32 s1, s30  }
0xbc: {  	s0 =	sor.u32 s3, s0;
	s1 =	sshll.u32 s1, $0x11  }
0xbd: {  	s0 =	sor.u32 s1, s0  }
0xbe: {  	s0 =	sadd.s32 $0x8F2B, s0  }
0xbf: {  	[sflag:s0] =	ssyncadd.remote.s32 $0x1  }
0xc0: {  	_ =	sfence.sel $0xFFFF  }
0xc1: {  	[dreg:$0x0] =	wrdreg $0xFFFFFFFF;
	(pc) =	sbr.abs _section_cstart, $3  }
0xc2: {  	[dreg:$0x1] =	wrdreg $0xFFFFFFFF  }
0xc3: {  	_ =	task.clear_ibuf [dreg:s8], $0x2FFFF;
	_ =	strace $0x9FFFFFFF  }
0xc4: {  	(tm) =	ssettm $0x7FFFFFFF  }
0xc5: {  	_ =	shalt  }
tec
execute0_lowered:
.L_overlay_start_1:
0x0: {  	(tag) =	ssettag $0x1  }
0x1: {  	s5 =	rddreg [dreg:$0x0]  }
0x2: {  	s4 =	rddreg [dreg:$0x1]  }
0x3: {  	s9 =	rddreg [dreg:$0x2]  }
0x4: {  	s0 =	rddreg [dreg:$0x3];
	s2 =	simm.s32 $0x0;
	s3 =	srdreg.scid  }
0x5: {  	s1 =	stileid.u32;
	[smem:$0x7FF] =	sst s2  }
0x6: {  	s10 =	sand.u32 $0x1, s3;
	s3 =	simm.s32 $0x1;
	_ =	strace $0x80000047  }
0x7: {  	[tilespmem:s2], [sflag:$0x1] =	stream.linear.gather [hbm4b:s4+s2], $0x18700, $0x38;
	[tilespmem:$0x1A780] =	vst v63  }
0x8: {  	s6 =	sshll.u32 s1, $0x6;
	s5 =	sadd.s32 $0x600, s5;
	_ =	swait.ge [sflag:s3], $0x18700  }
0x9: {  	s30 =	sshll.u32 s1, $0x9;
	s7 =	sshll.u32 s10, $0x5;
	[sflag:s3] =	ssyncset.done $0x0  }
0xa: {  	s11 =	sor.u32 s7, s6;
	s6 =	simm.s32 $0x18700;
	[sflag:s3] =	ssyncadd.s32 $0xFFFE7900  }
0xb: {  	[tilespmem:s6], [sflag:$0x1] =	stream.linear.gather [hbm4b:s5+s2], $0x2000, $0x38;
	[tilespmem:$0x1A780] =	vst v63  }
0xc: {  	s7 =	sor.u32 s11, s30;
	_ =	swait.ge [sflag:s3], $0x2000  }
0xd: {  	s7 =	sand.u32 $0x1C60, s7;
	[sflag:s3] =	ssyncset.done $0x0  }
0xe: {  	s8 =	sadd.s32 $0x18700, s7;
	[sflag:s3] =	ssyncadd.s32 $0xFFFFE000  }
0xf: {  	v0 =	vld [tilespmem:s8+$0x200]  }
0x10: {  	v1 =	vld [tilespmem:s8+$0x180]  }
0x11: {  	v2 =	vld [tilespmem:s8+$0x100]  }
0x12: {  	v3 =	vld [tilespmem:s7+$0x18700];
	_ =	sdelay $0x1  }
0x13: {  	v4 =	vld [tilespmem:s8+$0x80];
	_ =	sdelay $0x2  }
0x14: {  	v5 =	vld.idx.msk [tilespmem:v0+s2+$0x0], $0xffff  }
0x15: {  	v6 =	vld.idx.msk [tilespmem:v1+s2+$0x0], $0xffff  }
0x16: {  	v2 =	vld.idx.msk [tilespmem:v2+s2+$0x0], $0xffff  }
0x17: {  	v3 =	vld.idx.msk [tilespmem:v3+s2+$0x0], $0xffff;
	_ =	sdelay $0x1  }
0x18: {  	v4 =	vld.idx.msk [tilespmem:v4+s2+$0x0], $0xffff  }
0x19: {  	v1 =	vimm.s32 $0x1  }
0x1a: {  	v0 =	vimm.s32 $0x0;
	vm0 =	veq.s32 v6, v5;
	vm1 =	veq.s32 v2, v6  }
0x1b: {  	vm2 =	veq.s32 v2, v5;
	vm3 =	veq.s32 v3, v6;
	v7 =	vsel vm0, $0x1, v0  }
0x1c: {  	vm0 =	veq.s32 v3, v5;
	v8 =	vsel vm2, $0x1, v0;
	v9 =	vsel vm1, $0x2, v1  }
0x1d: {  	vm1 =	veq.s32 v3, v4;
	vm2 =	veq.s32 v4, v2;
	v15 =	vsel vm3, $0x1, v0  }
0x1e: {  	v10 =	vsel vm1, $0x2, v1;
	vm1 =	veq.s32 v3, v2;
	v11 =	vsel vm2, $0x1, v0  }
0x1f: {  	vm2 =	veq.s32 v4, v6;
	v63 =	vsel vm0, $0x1, v0;
	v12 =	vsel vm1, $0x1, v0  }
0x20: {  	v13 =	vadd.s32 v11, v10;
	vm1 =	veq.s32 v4, v5;
	v11 =	vadd.s32 v11, v9  }
0x21: {  	v16 =	vsel vm2, $0x1, v0;
	v14 =	vsel vm1, $0x1, v0;
	v10 =	vadd.s32 v12, v10  }
0x22: {  	v11 =	vadd.s32 v12, v11;
	v13 =	vadd.s32 v16, v13;
	v10 =	vadd.s32 v15, v10  }
0x23: {  	v9 =	vadd.s32 v16, v9;
	v13 =	vadd.s32 v14, v13;
	v10 =	vadd.s32 v63, v10  }
0x24: {  	v9 =	vadd.s32 v15, v9;
	v13 =	vmul.u32 $0x3E8, v13;
	v10 =	vmul.u32 $0x3E8, v10  }
0x25: {  	v11 =	vadd.s32 v8, v11;
	v12 =	vadd.s32 v14, v63;
	v9 =	vadd.s32 v7, v9  }
0x26: {  	v11 =	vmul.u32 $0x3E8, v11;
	v13 =	vsub.s32 v13, v4;
	v10 =	vsub.s32 v10, v3  }
0x27: {  	v8 =	vadd.s32 v8, v12;
	v9 =	vmul.u32 $0x3E8, v9;
	vm0 =	vgt.s32 v13, v10  }
0x28: {  	v7 =	vadd.s32 v7, v8;
	v8 =	vsub.s32 v11, v2;
	v10 =	vsel vm0, v13, v10  }
0x29: {  	v7 =	vmul.u32 $0x3E8, v7;
	vm1 =	vgt.s32 v8, v10  }
0x2a: {  	v9 =	vsub.s32 v9, v6;
	v8 =	vsel vm1, v8, v10  }
0x2b: {  	v3 =	vsel vm0, v4, v3;
	v4 =	vsub.s32 v7, v5;
	vm0 =	vgt.s32 v9, v8  }
0x2c: {  	v4 =	vadd.s32 $0x3E8, v4;
	v2 =	vsel vm1, v2, v3;
	v3 =	vsel vm0, v9, v8  }
0x2d: {  	v2 =	vsel vm0, v6, v2;
	vm0 =	vgt.s32 v4, v3  }
0x2e: {  	v2 =	vsel vm0, v5, v2  }
0x2f: {  	[tilespmem:$0x1A700] =	vst v2  }
0x30: {  	v2 =	vld [tilespmem:s8+$0x10]  }
0x31: {  	v3 =	vld [tilespmem:s8+$0x90]  }
0x32: {  	v4 =	vld [tilespmem:s8+$0x110]  }
0x33: {  	v7 =	vld [tilespmem:s8+$0x190]  }
0x34: {  	v8 =	vld [tilespmem:s8+$0x210];
	_ =	sdelay $0x1  }
0x35: {  	s10 =	ssub.s32 $0x2, s10  }
0x36: {  	s12 =	sshrl.u32 s10, $0x1  }
0x37: {  	s10 =	ssub.s32 s10, s12;
	v5 =	vld.idx.msk [tilespmem:v2+s2+$0x0], $0xffff  }
0x38: {  	s12 =	smax.u32 s10, $0x1;
	v6 =	vld.idx.msk [tilespmem:v3+s2+$0x0], $0xffff  }
0x39: {  	p0 =	sne.s32 s12, $0x1;
	v4 =	vld.idx.msk [tilespmem:v4+s2+$0x0], $0xffff  }
.Ltmp0:
0x3a: {  	v3 =	vld.idx.msk [tilespmem:v7+s2+$0x0], $0xffff;
	(pc) =	sbr.rel @!p0 .LBB2_2-.Ltmp0, $3  }
0x3b: {  	v2 =	vld.idx.msk [tilespmem:v8+s2+$0x0], $0xffff;
	_ =	sdelay $0x1  }
0x3c: {  	s31 =	sshrl.u32 s11, $0x3;
	vm0 =	veq.s32 v5, v6  }
0x3d: {  	s9 =	sadd.s32 s9, s31;
	s10 =	simm.s32 $0x1A700;
	s11 =	sadd.s32 $0xFFFFFFFF, s12;
	vm1 =	veq.s32 v5, v4;
	v7 =	vsel vm0, $0x2, v1;
	vm0 =	veq.s32 v6, v4  }
.LBB2_1:
0x3e: {  	p0 =	sne.s32 s11, $0x1;
	s11 =	sadd.s32 $0xFFFFFFFF, s11;
	v8 =	vsel vm1, $0x1, v0;
	vm1 =	veq.s32 v5, v3  }
0x3f: {  	v9 =	vadd.s32 v8, v7;
	v10 =	vsel vm1, $0x1, v0;
	vm1 =	veq.s32 v5, v2  }
0x40: {  	v9 =	vadd.s32 v10, v9;
	v11 =	vsel vm1, $0x1, v0;
	vm1 =	veq.s32 v6, v2  }
0x41: {  	vm2 =	veq.s32 v4, v2;
	vm3 =	veq.s32 v3, v2;
	v9 =	vadd.s32 v11, v9  }
0x42: {  	vm4 =	veq.s32 v4, v3;
	v12 =	vsel vm2, $0x1, v0;
	v9 =	vmul.u32 $0x3E8, v9  }
0x43: {  	v13 =	vsel vm0, $0x1, v0;
	vm0 =	veq.s32 v6, v3;
	v14 =	vsel vm4, $0x2, v1  }
0x44: {  	v7 =	vadd.s32 v13, v7;
	v15 =	vsel vm0, $0x1, v0;
	v13 =	vadd.s32 v13, v14  }
0x45: {  	v7 =	vadd.s32 v15, v7;
	v16 =	vsel vm1, $0x1, v0;
	v8 =	vadd.s32 v8, v13  }
0x46: {  	v13 =	vadd.s32 v15, v14;
	v7 =	vadd.s32 v16, v7;
	v8 =	vadd.s32 v12, v8  }
0x47: {  	v10 =	vadd.s32 v10, v13;
	v7 =	vmul.u32 $0x3E8, v7;
	v8 =	vmul.u32 $0x3E8, v8  }
0x48: {  	v13 =	vsel vm3, $0x1, v0;
	v11 =	vadd.s32 v16, v11;
	v9 =	vsub.s32 v9, v5  }
0x49: {  	v10 =	vadd.s32 v13, v10;
	v11 =	vadd.s32 v12, v11;
	v7 =	vsub.s32 v7, v6  }
0x4a: {  	v11 =	vadd.s32 v13, v11;
	v10 =	vmul.u32 $0x3E8, v10;
	vm0 =	vgt.s32 v7, v9  }
0x4b: {  	v5 =	vsel vm0, v6, v5;
	v6 =	vsel vm0, v7, v9;
	v7 =	vsub.s32 v8, v4  }
0x4c: {  	v8 =	vmul.u32 $0x3E8, v11;
	vm0 =	vgt.s32 v7, v6  }
0x4d: {  	v4 =	vsel vm0, v4, v5;
	v5 =	vsel vm0, v7, v6;
	v6 =	vsub.s32 v10, v3  }
0x4e: {  	v7 =	vsub.s32 v8, v2;
	vm0 =	vgt.s32 v6, v5  }
0x4f: {  	v3 =	vsel vm0, v3, v4;
	v4 =	vsel vm0, v6, v5;
	v5 =	vadd.s32 $0x3E8, v7  }
0x50: {  	vm0 =	vgt.s32 v5, v4  }
0x51: {  	v2 =	vsel vm0, v2, v3  }
0x52: {  	[tilespmem:$0x1A710] =	vst v2  }
0x53: {  	[hbm4b:s9+s2] =	stream.linear.scatter [tilespmem:s10], [sflag:$0x1], $0x20, $0x38;
	[tilespmem:$0x1A780] =	vst v63  }
0x54: {  	_ =	swait.ge [sflag:s3], $0x20  }
0x55: {  	[sflag:s3] =	ssyncset.done $0x0  }
0x56: {  	[sflag:s3] =	ssyncadd.s32 $0xFFFFFFE0  }
0x57: {  	[tilespmem:s2], [sflag:$0x1] =	stream.linear.gather [hbm4b:s4+s2], $0x18700, $0x38;
	[tilespmem:$0x1A780] =	vst v63  }
0x58: {  	_ =	swait.ge [sflag:s3], $0x18700  }
0x59: {  	[sflag:s3] =	ssyncset.done $0x0  }
0x5a: {  	[sflag:s3] =	ssyncadd.s32 $0xFFFE7900  }
0x5b: {  	[tilespmem:s6], [sflag:$0x1] =	stream.linear.gather [hbm4b:s5+s2], $0x2000, $0x38;
	[tilespmem:$0x1A780] =	vst v63  }
0x5c: {  	_ =	swait.ge [sflag:s3], $0x2000  }
0x5d: {  	[sflag:s3] =	ssyncset.done $0x0  }
0x5e: {  	[sflag:s3] =	ssyncadd.s32 $0xFFFFE000  }
0x5f: {  	v2 =	vld [tilespmem:s8+$0x200]  }
0x60: {  	v3 =	vld [tilespmem:s8+$0x180]  }
0x61: {  	v4 =	vld [tilespmem:s8+$0x100]  }
0x62: {  	v5 =	vld [tilespmem:s7+$0x18700]  }
0x63: {  	v6 =	vld [tilespmem:s8+$0x80];
	_ =	sdelay $0x3  }
0x64: {  	v2 =	vld.idx.msk [tilespmem:v2+s2+$0x0], $0xffff  }
0x65: {  	v3 =	vld.idx.msk [tilespmem:v3+s2+$0x0], $0xffff  }
0x66: {  	v4 =	vld.idx.msk [tilespmem:v4+s2+$0x0], $0xffff  }
0x67: {  	v5 =	vld.idx.msk [tilespmem:v5+s2+$0x0], $0xffff  }
0x68: {  	v6 =	vld.idx.msk [tilespmem:v6+s2+$0x0], $0xffff;
	_ =	sdelay $0x2  }
0x69: {  	vm0 =	veq.s32 v3, v2  }
0x6a: {  	vm1 =	veq.s32 v4, v3;
	vm2 =	veq.s32 v4, v2;
	v7 =	vsel vm0, $0x1, v0  }
0x6b: {  	vm0 =	veq.s32 v5, v2;
	v8 =	vsel vm2, $0x1, v0;
	v9 =	vsel vm1, $0x2, v1  }
0x6c: {  	vm2 =	veq.s32 v5, v3;
	vm1 =	veq.s32 v5, v6;
	vm3 =	veq.s32 v6, v4  }
0x6d: {  	v10 =	vsel vm1, $0x2, v1;
	vm1 =	veq.s32 v5, v4;
	v11 =	vsel vm3, $0x1, v0  }
0x6e: {  	v12 =	vsel vm1, $0x1, v0;
	v13 =	vadd.s32 v11, v10;
	vm1 =	veq.s32 v6, v2  }
0x6f: {  	vm3 =	veq.s32 v6, v3;
	v11 =	vadd.s32 v11, v9;
	v14 =	vsel vm1, $0x1, v0  }
0x70: {  	v15 =	vsel vm2, $0x1, v0;
	v16 =	vsel vm3, $0x1, v0;
	v11 =	vadd.s32 v12, v11  }
0x71: {  	v10 =	vadd.s32 v12, v10;
	v12 =	vsel vm0, $0x1, v0;
	v13 =	vadd.s32 v16, v13  }
0x72: {  	v10 =	vadd.s32 v15, v10;
	v13 =	vadd.s32 v14, v13;
	v11 =	vadd.s32 v8, v11  }
0x73: {  	v9 =	vadd.s32 v16, v9;
	v10 =	vadd.s32 v12, v10;
	v13 =	vmul.u32 $0x3E8, v13  }
0x74: {  	v9 =	vadd.s32 v15, v9;
	v12 =	vadd.s32 v14, v12;
	v10 =	vmul.u32 $0x3E8, v10  }
0x75: {  	v9 =	vadd.s32 v7, v9;
	v11 =	vmul.u32 $0x3E8, v11;
	v8 =	vadd.s32 v8, v12  }
0x76: {  	v9 =	vmul.u32 $0x3E8, v9;
	v12 =	vsub.s32 v13, v6;
	v10 =	vsub.s32 v10, v5  }
0x77: {  	v7 =	vadd.s32 v7, v8;
	v8 =	vsub.s32 v11, v4;
	vm0 =	vgt.s32 v12, v10  }
0x78: {  	v7 =	vmul.u32 $0x3E8, v7;
	v5 =	vsel vm0, v6, v5;
	v6 =	vsel vm0, v12, v10  }
0x79: {  	vm0 =	vgt.s32 v8, v6  }
0x7a: {  	v4 =	vsel vm0, v4, v5;
	v5 =	vsel vm0, v8, v6;
	v6 =	vsub.s32 v9, v3  }
0x7b: {  	v7 =	vsub.s32 v7, v2;
	vm0 =	vgt.s32 v6, v5  }
0x7c: {  	v3 =	vsel vm0, v3, v4;
	v4 =	vsel vm0, v6, v5;
	v5 =	vadd.s32 $0x3E8, v7  }
0x7d: {  	vm0 =	vgt.s32 v5, v4  }
0x7e: {  	v2 =	vsel vm0, v2, v3  }
0x7f: {  	[tilespmem:$0x1A700] =	vst v2  }
0x80: {  	v2 =	vld [tilespmem:s8+$0x10]  }
0x81: {  	v3 =	vld [tilespmem:s8+$0x90]  }
0x82: {  	v4 =	vld [tilespmem:s8+$0x110]  }
0x83: {  	v7 =	vld [tilespmem:s8+$0x190]  }
0x84: {  	v8 =	vld [tilespmem:s8+$0x210];
	_ =	sdelay $0x3  }
0x85: {  	v5 =	vld.idx.msk [tilespmem:v2+s2+$0x0], $0xffff  }
0x86: {  	v6 =	vld.idx.msk [tilespmem:v3+s2+$0x0], $0xffff  }
0x87: {  	v4 =	vld.idx.msk [tilespmem:v4+s2+$0x0], $0xffff  }
0x88: {  	v3 =	vld.idx.msk [tilespmem:v7+s2+$0x0], $0xffff  }
.Ltmp1:
0x89: {  	v2 =	vld.idx.msk [tilespmem:v8+s2+$0x0], $0xffff;
	(pc) =	sbr.rel @p0 .LBB2_1-.Ltmp1, $3  }
0x8a: {  	_ =	sdelay $0x1  }
0x8b: {  	vm0 =	veq.s32 v5, v6  }
0x8c: {  	v7 =	vsel vm0, $0x2, v1;
	vm1 =	veq.s32 v5, v4;
	vm0 =	veq.s32 v6, v4  }
.LBB2_2:
0x8d: {  	v8 =	vsel vm1, $0x1, v0  }
0x8e: {  	vm8 =	veq.s32 v5, v3;
	vm4 =	veq.s32 v4, v3;
	v13 =	vsel vm0, $0x1, v0  }
0x8f: {  	vm11 =	veq.s32 v6, v3;
	v9 =	vadd.s32 v8, v7;
	v10 =	vsel vm8, $0x1, v0  }
0x90: {  	vm9 =	veq.s32 v5, v2;
	vm10 =	veq.s32 v6, v2;
	vm2 =	veq.s32 v4, v2  }
0x91: {  	vm3 =	veq.s32 v3, v2;
	v1 =	vsel vm4, $0x2, v1;
	v58 =	vadd.s32 v13, v7  }
0x92: {  	v14 =	vsel vm11, $0x1, v0;
	v9 =	vadd.s32 v10, v9;
	v11 =	vsel vm9, $0x1, v0  }
0x93: {  	v12 =	vsel vm2, $0x1, v0;
	v13 =	vadd.s32 v13, v1;
	v7 =	vadd.s32 v14, v58  }
0x94: {  	v15 =	vsel vm10, $0x1, v0;
	v1 =	vadd.s32 v14, v1;
	v59 =	vsel vm3, $0x1, v0  }
0x95: {  	v9 =	vadd.s32 v11, v9;
	v8 =	vadd.s32 v8, v13;
	v7 =	vadd.s32 v15, v7  }
0x96: {  	v60 =	vadd.s32 v15, v11;
	v9 =	vmul.u32 $0x3E8, v9;
	v7 =	vmul.u32 $0x3E8, v7  }
0x97: {  	v1 =	vadd.s32 v10, v1;
	v8 =	vadd.s32 v12, v8;
	v10 =	vadd.s32 v12, v60  }
0x98: {  	v8 =	vmul.u32 $0x3E8, v8;
	v9 =	vsub.s32 v9, v5;
	v7 =	vsub.s32 v7, v6  }
0x99: {  	v1 =	vadd.s32 v59, v1;
	v0 =	vadd.s32 v59, v10;
	vm12 =	vgt.s32 v7, v9  }
0x9a: {  	v1 =	vmul.u32 $0x3E8, v1;
	v8 =	vsub.s32 v8, v4;
	v7 =	vsel vm12, v7, v9  }
0x9b: {  	v0 =	vmul.u32 $0x3E8, v0;
	vm13 =	vgt.s32 v8, v7  }
0x9c: {  	v1 =	vsub.s32 v1, v3;
	v7 =	vsel vm13, v8, v7  }
0x9d: {  	v61 =	vsel vm12, v6, v5;
	v0 =	vsub.s32 v0, v2;
	vm14 =	vgt.s32 v1, v7  }
0x9e: {  	v0 =	vadd.s32 $0x3E8, v0;
	v62 =	vsel vm13, v4, v61;
	v1 =	vsel vm14, v1, v7  }
0x9f: {  	v63 =	vsel vm14, v3, v62;
	vm15 =	vgt.s32 v0, v1  }
0xa0: {  	v0 =	vsel vm15, v2, v63  }
0xa1: {  	[tilespmem:$0x1A710] =	vst v0  }
0xa2: {  	[hbm4b:s9+s2] =	stream.linear.scatter [tilespmem:s10], [sflag:$0x1], $0x20, $0x38;
	[tilespmem:$0x1A780] =	vst v63  }
0xa3: {  	_ =	swait.ge [sflag:s3], $0x20  }
0xa4: {  	[sflag:s3] =	ssyncset.done $0x0  }
0xa5: {  	[sflag:s3] =	ssyncadd.s32 $0xFFFFFFE0  }
0xa6: {  	_ =	sfence.sel $0x180000  }
0xa7: {  	[bflag:$0x0] =	sbarrier.arrive $0xFFFF  }
0xa8: {  	p0 =	sne.s32 s1, $0x0;
	_ =	strace $0x90000047  }
0xa9: {  	s0 =	sadd.s32 @!p0 $0x100000, s0;
	[bflag:$0x2] =	sbarrier.arrive $0xFFFF  }
0xaa: {  	[sflag:s0] =	ssyncadd.tile.s32 @!p0 $0x1;
	_ =	shalt  }
.Lfunc_end2:
_tile_overlayer_lowered:
.L_overlay_start_2:
0xab: {  	(tag) =	ssettag $0x2  }
0xac: {  	s0 =	rddreg [dreg:$0x0];
	s2 =	stileid.u32  }
0xad: {  	s1 =	rddreg [dreg:$0x1];
	p0 =	sne.s32 s2, $0x0  }
0xae: {  	s3 =	rddreg [dreg:$0x2];
	[bflag:$0x3] =	sbarrier.arrive $0xFFFF;
	s2 =	simm.s32 @!p0 $0x1C01  }
0xaf: {  	[timem:s3], [sflag:s2] =	dma.local @!p0 [hbm:s0], s1  }
0xb0: {  	s0 =	simm.s32 @!p0 $0x1  }
0xb1: {  	_ =	swait.ge @!p0 [sflag:s0], s1  }
0xb2: {  	s1 =	ssub.s32 @!p0 $0x0, s1;
	[sflag:s0] =	ssyncset.done @!p0 $0x0  }
0xb3: {  	[sflag:s0] =	ssyncadd.s32 @!p0 s1  }
0xb4: {  	[bflag:$0x3] =	sbarrier.arrive $0xFFFF  }
0xb5: {  	_ =	shalt  }

</sc_bundles>
